<compile_context>
chip_gen: v7x
topology: tpu7x:2x2x1
jax: 0.10.2.dev20260603
libtpu: 0.0.44.dev20260713+nightly
codegen_flags: <defaults>
</compile_context>

<pallas_src>
import functools

import jax
import jax.numpy as jnp
from jax import lax
from jax.experimental import pallas as pl
from jax.experimental.pallas import tpu as pltpu
from jax.experimental.pallas import tpu_sc as plsc

POS_EMB_SIZE = 8193
D_WORD_VEC = 1024
BATCH = 4
MAX_LEN = 8192

_NUM_CORES = 2
_NUM_SUBCORES = 16
_NUM_WORKERS = _NUM_CORES * _NUM_SUBCORES
_ROWS_PER_WORKER = MAX_LEN // _NUM_WORKERS
_CHUNK = 32
_NUM_CHUNKS = _ROWS_PER_WORKER // _CHUNK
_NBUF = 3
_LANES = 16


@functools.partial(
    pl.kernel,
    mesh=plsc.VectorSubcoreMesh(core_axis_name="c", subcore_axis_name="s"),
    out_type=jax.ShapeDtypeStruct((BATCH, MAX_LEN, D_WORD_VEC), jnp.float32),
    scratch_types=(
        [pltpu.VMEM((_CHUNK, D_WORD_VEC), jnp.float32) for _ in range(_NBUF)]
        + [pltpu.VMEM((_ROWS_PER_WORKER,), jnp.int32)]
        + [pltpu.SemaphoreType.DMA for _ in range(2 * _NBUF)]
    ),
)
def _sc_broadcast_rows(table_hbm, out_hbm, *scratch):
    wid = lax.axis_index("s") * _NUM_CORES + lax.axis_index("c")
    base = wid * _ROWS_PER_WORKER

    bufs = scratch[:_NBUF]
    idx = scratch[_NBUF]
    rsems = scratch[_NBUF + 1 : 2 * _NBUF + 1]
    wsems = scratch[2 * _NBUF + 1 :]
    pending_writes = [None] * _NBUF

    lane = lax.iota(jnp.int32, _LANES)
    for j in range(_ROWS_PER_WORKER // _LANES):
        idx[pl.ds(j * _LANES, _LANES)] = lane + (base + 1 + j * _LANES)

    def gather_copy(i):
        return pltpu.make_async_copy(
            table_hbm.at[idx.at[pl.ds(i * _CHUNK, _CHUNK)]],
            bufs[i % _NBUF],
            rsems[i % _NBUF],
        )

    for i in range(min(_NBUF, _NUM_CHUNKS)):
        gather_copy(i).start()

    for i in range(_NUM_CHUNKS):
        slot = i % _NBUF
        row0 = base + i * _CHUNK
        gather_copy(i).wait()
        writes = []
        for b in range(BATCH):
            cp = pltpu.make_async_copy(
                bufs[slot],
                out_hbm.at[b, pl.ds(row0, _CHUNK)],
                wsems[slot],
            )
            cp.start()
            writes.append(cp)
        pending_writes[slot] = writes
        prev = i - 1
        if prev >= 0 and prev + _NBUF < _NUM_CHUNKS:
            pslot = prev % _NBUF
            for cp in pending_writes[pslot]:
                cp.wait()
            pending_writes[pslot] = None
            gather_copy(prev + _NBUF).start()

    for slot in range(_NBUF):
        if pending_writes[slot] is not None:
            for cp in pending_writes[slot]:
                cp.wait()


def kernel(x, table):
    del x
    return _sc_broadcast_rows(table)

# --- scband reference (transcript-rebuilt; emitter-appended) ---
"""Pipeline reference for scband-positional-embedding-19928648253499 (READ-ONLY COPY).

The authoritative reference and input builder live on the scoring server;
editing this copy changes nothing except your own understanding.
"""

import jax, jax.numpy as jnp
import numpy as np

POS_EMB_SIZE = 8193
D_WORD_VEC = 1024
BATCH = 4
MAX_LEN = 8192


def setup_inputs(seed: int = 0) -> dict:
    key = jax.random.key(seed)
    k1, k2 = jax.random.split(key)
    # x: only its shape matters for the forward pass (values are token ids)
    x = jax.random.randint(k1, (BATCH, MAX_LEN), 0, POS_EMB_SIZE).astype(jnp.int32)
    # learned positional embedding table, nn.Embedding-style init, padding_idx=0 row zeroed
    table = jax.random.normal(k2, (POS_EMB_SIZE, D_WORD_VEC), dtype=jnp.float32)
    table = table.at[0].set(0.0)
    return {"x": x, "table": table}


def reference(x, table):
    """Faithful jax translation of PositionalEmbedding.forward (pos_emb_size branch).

    x: int[batch_size, max_len]
    table: float32[pos_emb_size, d_word_vec]
    returns: float32[batch_size, max_len, d_word_vec]
    """
    batch_size, max_len = x.shape
    # pos = arange(0, max_len).add_(1), expanded to x's shape
    pos = jnp.arange(max_len, dtype=jnp.int32) + 1
    pos = jnp.broadcast_to(pos[None, :], (batch_size, max_len))
    # embedding lookup -> gather rows of the table
    emb = jnp.take(table, pos, axis=0)
    return emb

if __name__ == "__main__":
    import jax
    _d = setup_inputs()
    print(jax.jit(kernel)(*tuple(_d.values())))

</pallas_src>

<mosaic_0001>
#map = affine_map<(d0, d1) -> (0, 0)>
#map1 = affine_map<(d0, d1) -> (0, 0, 0)>
module attributes {stable_mosaic.version = 14 : i64} {
  func.func @_sc_broadcast_rows(%arg0: i32, %arg1: i32, %arg2: memref<8193x1024xf32, #tpu.memory_space<hbm>>, %arg3: memref<4x8192x1024xf32, #tpu.memory_space<hbm>>, %arg4: memref<32x1024xf32, #tpu.memory_space<vmem>>, %arg5: memref<32x1024xf32, #tpu.memory_space<vmem>>, %arg6: memref<32x1024xf32, #tpu.memory_space<vmem>>, %arg7: memref<256xi32, #tpu.memory_space<vmem>>, %arg8: memref<!tpu.dma_semaphore, #tpu.memory_space<semaphore_mem>>, %arg9: memref<!tpu.dma_semaphore, #tpu.memory_space<semaphore_mem>>, %arg10: memref<!tpu.dma_semaphore, #tpu.memory_space<semaphore_mem>>, %arg11: memref<!tpu.dma_semaphore, #tpu.memory_space<semaphore_mem>>, %arg12: memref<!tpu.dma_semaphore, #tpu.memory_space<semaphore_mem>>, %arg13: memref<!tpu.dma_semaphore, #tpu.memory_space<semaphore_mem>>) attributes {dimension_semantics = [#tpu.dimension_semantics<core_parallel>, #tpu.dimension_semantics<subcore_parallel>], iteration_bounds = array<i64: 2, 16>, scalar_prefetch = 0 : i64, scratch_operands = 10 : i64, tpu.core_type = #tpu.core_type<sc_vector_subcore>, window_params = [{transform_indices = #map}, {transform_indices = #map1}]} {
    %mul3A = arith.constant 2 : i32
    %mul3A_0 = arith.muli %arg1, %mul3A : i32
    %add3A = arith.addi %mul3A_0, %arg0 : i32
    %mul3A_1 = arith.constant 256 : i32
    %mul3A_2 = arith.muli %add3A, %mul3A_1 : i32
    %iota3A = tpu.iota {dimensions = array<i32: 0>} : vector<16xi32>
    %add3A_3 = arith.constant 1 : i32
    %add3A_4 = arith.addi %mul3A_2, %add3A_3 : i32
    %add3A_5 = arith.constant 0 : i32
    %add3A_6 = arith.addi %add3A_4, %add3A_5 : i32
    %add3A_7 = vector.broadcast %add3A_6 : i32 to vector<16xi32>
    %add3A_8 = arith.addi %iota3A, %add3A_7 : vector<16xi32>
    %swap3A = arith.constant 0 : index
    %swap3A_9 = tpu.vector_load %arg7[%swap3A] {strides = array<i32>} : memref<256xi32, #tpu.memory_space<vmem>>, vector<16xi32>,
    %swap3A_10 = vector.shape_cast %swap3A_9 : vector<16xi32> to vector<16xi32>
    %swap3A_11 = vector.shape_cast %add3A_8 : vector<16xi32> to vector<16xi32>
    tpu.vector_store %arg7[%swap3A], %swap3A_11 {strides = array<i32>} : memref<256xi32, #tpu.memory_space<vmem>>, vector<16xi32>,
    %add3A_12 = arith.constant 1 : i32
    %add3A_13 = arith.addi %mul3A_2, %add3A_12 : i32
    %add3A_14 = arith.constant 16 : i32
    %add3A_15 = arith.addi %add3A_13, %add3A_14 : i32
    %add3A_16 = vector.broadcast %add3A_15 : i32 to vector<16xi32>
    %add3A_17 = arith.addi %iota3A, %add3A_16 : vector<16xi32>
    %swap3A_18 = arith.constant 16 : index
    %swap3A_19 = tpu.vector_load %arg7[%swap3A_18] {strides = array<i32>} : memref<256xi32, #tpu.memory_space<vmem>>, vector<16xi32>,
    %swap3A_20 = vector.shape_cast %swap3A_19 : vector<16xi32> to vector<16xi32>
    %swap3A_21 = vector.shape_cast %add3A_17 : vector<16xi32> to vector<16xi32>
    tpu.vector_store %arg7[%swap3A_18], %swap3A_21 {strides = array<i32>} : memref<256xi32, #tpu.memory_space<vmem>>, vector<16xi32>,
    %add3A_22 = arith.constant 1 : i32
    %add3A_23 = arith.addi %mul3A_2, %add3A_22 : i32
    %add3A_24 = arith.constant 32 : i32
    %add3A_25 = arith.addi %add3A_23, %add3A_24 : i32
    %add3A_26 = vector.broadcast %add3A_25 : i32 to vector<16xi32>
    %add3A_27 = arith.addi %iota3A, %add3A_26 : vector<16xi32>
    %swap3A_28 = arith.constant 32 : index
    %swap3A_29 = tpu.vector_load %arg7[%swap3A_28] {strides = array<i32>} : memref<256xi32, #tpu.memory_space<vmem>>, vector<16xi32>,
    %swap3A_30 = vector.shape_cast %swap3A_29 : vector<16xi32> to vector<16xi32>
    %swap3A_31 = vector.shape_cast %add3A_27 : vector<16xi32> to vector<16xi32>
    tpu.vector_store %arg7[%swap3A_28], %swap3A_31 {strides = array<i32>} : memref<256xi32, #tpu.memory_space<vmem>>, vector<16xi32>,
    %add3A_32 = arith.constant 1 : i32
    %add3A_33 = arith.addi %mul3A_2, %add3A_32 : i32
    %add3A_34 = arith.constant 48 : i32
    %add3A_35 = arith.addi %add3A_33, %add3A_34 : i32
    %add3A_36 = vector.broadcast %add3A_35 : i32 to vector<16xi32>
    %add3A_37 = arith.addi %iota3A, %add3A_36 : vector<16xi32>
    %swap3A_38 = arith.constant 48 : index
    %swap3A_39 = tpu.vector_load %arg7[%swap3A_38] {strides = array<i32>} : memref<256xi32, #tpu.memory_space<vmem>>, vector<16xi32>,
    %swap3A_40 = vector.shape_cast %swap3A_39 : vector<16xi32> to vector<16xi32>
    %swap3A_41 = vector.shape_cast %add3A_37 : vector<16xi32> to vector<16xi32>
    tpu.vector_store %arg7[%swap3A_38], %swap3A_41 {strides = array<i32>} : memref<256xi32, #tpu.memory_space<vmem>>, vector<16xi32>,
    %add3A_42 = arith.constant 1 : i32
    %add3A_43 = arith.addi %mul3A_2, %add3A_42 : i32
    %add3A_44 = arith.constant 64 : i32
    %add3A_45 = arith.addi %add3A_43, %add3A_44 : i32
    %add3A_46 = vector.broadcast %add3A_45 : i32 to vector<16xi32>
    %add3A_47 = arith.addi %iota3A, %add3A_46 : vector<16xi32>
    %swap3A_48 = arith.constant 64 : index
    %swap3A_49 = tpu.vector_load %arg7[%swap3A_48] {strides = array<i32>} : memref<256xi32, #tpu.memory_space<vmem>>, vector<16xi32>,
    %swap3A_50 = vector.shape_cast %swap3A_49 : vector<16xi32> to vector<16xi32>
    %swap3A_51 = vector.shape_cast %add3A_47 : vector<16xi32> to vector<16xi32>
    tpu.vector_store %arg7[%swap3A_48], %swap3A_51 {strides = array<i32>} : memref<256xi32, #tpu.memory_space<vmem>>, vector<16xi32>,
    %add3A_52 = arith.constant 1 : i32
    %add3A_53 = arith.addi %mul3A_2, %add3A_52 : i32
    %add3A_54 = arith.constant 80 : i32
    %add3A_55 = arith.addi %add3A_53, %add3A_54 : i32
    %add3A_56 = vector.broadcast %add3A_55 : i32 to vector<16xi32>
    %add3A_57 = arith.addi %iota3A, %add3A_56 : vector<16xi32>
    %swap3A_58 = arith.constant 80 : index
    %swap3A_59 = tpu.vector_load %arg7[%swap3A_58] {strides = array<i32>} : memref<256xi32, #tpu.memory_space<vmem>>, vector<16xi32>,
    %swap3A_60 = vector.shape_cast %swap3A_59 : vector<16xi32> to vector<16xi32>
    %swap3A_61 = vector.shape_cast %add3A_57 : vector<16xi32> to vector<16xi32>
    tpu.vector_store %arg7[%swap3A_58], %swap3A_61 {strides = array<i32>} : memref<256xi32, #tpu.memory_space<vmem>>, vector<16xi32>,
    %add3A_62 = arith.constant 1 : i32
    %add3A_63 = arith.addi %mul3A_2, %add3A_62 : i32
    %add3A_64 = arith.constant 96 : i32
    %add3A_65 = arith.addi %add3A_63, %add3A_64 : i32
    %add3A_66 = vector.broadcast %add3A_65 : i32 to vector<16xi32>
    %add3A_67 = arith.addi %iota3A, %add3A_66 : vector<16xi32>
    %swap3A_68 = arith.constant 96 : index
    %swap3A_69 = tpu.vector_load %arg7[%swap3A_68] {strides = array<i32>} : memref<256xi32, #tpu.memory_space<vmem>>, vector<16xi32>,
    %swap3A_70 = vector.shape_cast %swap3A_69 : vector<16xi32> to vector<16xi32>
    %swap3A_71 = vector.shape_cast %add3A_67 : vector<16xi32> to vector<16xi32>
    tpu.vector_store %arg7[%swap3A_68], %swap3A_71 {strides = array<i32>} : memref<256xi32, #tpu.memory_space<vmem>>, vector<16xi32>,
    %add3A_72 = arith.constant 1 : i32
    %add3A_73 = arith.addi %mul3A_2, %add3A_72 : i32
    %add3A_74 = arith.constant 112 : i32
    %add3A_75 = arith.addi %add3A_73, %add3A_74 : i32
    %add3A_76 = vector.broadcast %add3A_75 : i32 to vector<16xi32>
    %add3A_77 = arith.addi %iota3A, %add3A_76 : vector<16xi32>
    %swap3A_78 = arith.constant 112 : index
    %swap3A_79 = tpu.vector_load %arg7[%swap3A_78] {strides = array<i32>} : memref<256xi32, #tpu.memory_space<vmem>>, vector<16xi32>,
    %swap3A_80 = vector.shape_cast %swap3A_79 : vector<16xi32> to vector<16xi32>
    %swap3A_81 = vector.shape_cast %add3A_77 : vector<16xi32> to vector<16xi32>
    tpu.vector_store %arg7[%swap3A_78], %swap3A_81 {strides = array<i32>} : memref<256xi32, #tpu.memory_space<vmem>>, vector<16xi32>,
    %add3A_82 = arith.constant 1 : i32
    %add3A_83 = arith.addi %mul3A_2, %add3A_82 : i32
    %add3A_84 = arith.constant 128 : i32
    %add3A_85 = arith.addi %add3A_83, %add3A_84 : i32
    %add3A_86 = vector.broadcast %add3A_85 : i32 to vector<16xi32>
    %add3A_87 = arith.addi %iota3A, %add3A_86 : vector<16xi32>
    %swap3A_88 = arith.constant 128 : index
    %swap3A_89 = tpu.vector_load %arg7[%swap3A_88] {strides = array<i32>} : memref<256xi32, #tpu.memory_space<vmem>>, vector<16xi32>,
    %swap3A_90 = vector.shape_cast %swap3A_89 : vector<16xi32> to vector<16xi32>
    %swap3A_91 = vector.shape_cast %add3A_87 : vector<16xi32> to vector<16xi32>
    tpu.vector_store %arg7[%swap3A_88], %swap3A_91 {strides = array<i32>} : memref<256xi32, #tpu.memory_space<vmem>>, vector<16xi32>,
    %add3A_92 = arith.constant 1 : i32
    %add3A_93 = arith.addi %mul3A_2, %add3A_92 : i32
    %add3A_94 = arith.constant 144 : i32
    %add3A_95 = arith.addi %add3A_93, %add3A_94 : i32
    %add3A_96 = vector.broadcast %add3A_95 : i32 to vector<16xi32>
    %add3A_97 = arith.addi %iota3A, %add3A_96 : vector<16xi32>
    %swap3A_98 = arith.constant 144 : index
    %swap3A_99 = tpu.vector_load %arg7[%swap3A_98] {strides = array<i32>} : memref<256xi32, #tpu.memory_space<vmem>>, vector<16xi32>,
    %swap3A_100 = vector.shape_cast %swap3A_99 : vector<16xi32> to vector<16xi32>
    %swap3A_101 = vector.shape_cast %add3A_97 : vector<16xi32> to vector<16xi32>
    tpu.vector_store %arg7[%swap3A_98], %swap3A_101 {strides = array<i32>} : memref<256xi32, #tpu.memory_space<vmem>>, vector<16xi32>,
    %add3A_102 = arith.constant 1 : i32
    %add3A_103 = arith.addi %mul3A_2, %add3A_102 : i32
    %add3A_104 = arith.constant 160 : i32
    %add3A_105 = arith.addi %add3A_103, %add3A_104 : i32
    %add3A_106 = vector.broadcast %add3A_105 : i32 to vector<16xi32>
    %add3A_107 = arith.addi %iota3A, %add3A_106 : vector<16xi32>
    %swap3A_108 = arith.constant 160 : index
    %swap3A_109 = tpu.vector_load %arg7[%swap3A_108] {strides = array<i32>} : memref<256xi32, #tpu.memory_space<vmem>>, vector<16xi32>,
    %swap3A_110 = vector.shape_cast %swap3A_109 : vector<16xi32> to vector<16xi32>
    %swap3A_111 = vector.shape_cast %add3A_107 : vector<16xi32> to vector<16xi32>
    tpu.vector_store %arg7[%swap3A_108], %swap3A_111 {strides = array<i32>} : memref<256xi32, #tpu.memory_space<vmem>>, vector<16xi32>,
    %add3A_112 = arith.constant 1 : i32
    %add3A_113 = arith.addi %mul3A_2, %add3A_112 : i32
    %add3A_114 = arith.constant 176 : i32
    %add3A_115 = arith.addi %add3A_113, %add3A_114 : i32
    %add3A_116 = vector.broadcast %add3A_115 : i32 to vector<16xi32>
    %add3A_117 = arith.addi %iota3A, %add3A_116 : vector<16xi32>
    %swap3A_118 = arith.constant 176 : index
    %swap3A_119 = tpu.vector_load %arg7[%swap3A_118] {strides = array<i32>} : memref<256xi32, #tpu.memory_space<vmem>>, vector<16xi32>,
    %swap3A_120 = vector.shape_cast %swap3A_119 : vector<16xi32> to vector<16xi32>
    %swap3A_121 = vector.shape_cast %add3A_117 : vector<16xi32> to vector<16xi32>
    tpu.vector_store %arg7[%swap3A_118], %swap3A_121 {strides = array<i32>} : memref<256xi32, #tpu.memory_space<vmem>>, vector<16xi32>,
    %add3A_122 = arith.constant 1 : i32
    %add3A_123 = arith.addi %mul3A_2, %add3A_122 : i32
    %add3A_124 = arith.constant 192 : i32
    %add3A_125 = arith.addi %add3A_123, %add3A_124 : i32
    %add3A_126 = vector.broadcast %add3A_125 : i32 to vector<16xi32>
    %add3A_127 = arith.addi %iota3A, %add3A_126 : vector<16xi32>
    %swap3A_128 = arith.constant 192 : index
    %swap3A_129 = tpu.vector_load %arg7[%swap3A_128] {strides = array<i32>} : memref<256xi32, #tpu.memory_space<vmem>>, vector<16xi32>,
    %swap3A_130 = vector.shape_cast %swap3A_129 : vector<16xi32> to vector<16xi32>
    %swap3A_131 = vector.shape_cast %add3A_127 : vector<16xi32> to vector<16xi32>
    tpu.vector_store %arg7[%swap3A_128], %swap3A_131 {strides = array<i32>} : memref<256xi32, #tpu.memory_space<vmem>>, vector<16xi32>,
    %add3A_132 = arith.constant 1 : i32
    %add3A_133 = arith.addi %mul3A_2, %add3A_132 : i32
    %add3A_134 = arith.constant 208 : i32
    %add3A_135 = arith.addi %add3A_133, %add3A_134 : i32
    %add3A_136 = vector.broadcast %add3A_135 : i32 to vector<16xi32>
    %add3A_137 = arith.addi %iota3A, %add3A_136 : vector<16xi32>
    %swap3A_138 = arith.constant 208 : index
    %swap3A_139 = tpu.vector_load %arg7[%swap3A_138] {strides = array<i32>} : memref<256xi32, #tpu.memory_space<vmem>>, vector<16xi32>,
    %swap3A_140 = vector.shape_cast %swap3A_139 : vector<16xi32> to vector<16xi32>
    %swap3A_141 = vector.shape_cast %add3A_137 : vector<16xi32> to vector<16xi32>
    tpu.vector_store %arg7[%swap3A_138], %swap3A_141 {strides = array<i32>} : memref<256xi32, #tpu.memory_space<vmem>>, vector<16xi32>,
    %add3A_142 = arith.constant 1 : i32
    %add3A_143 = arith.addi %mul3A_2, %add3A_142 : i32
    %add3A_144 = arith.constant 224 : i32
    %add3A_145 = arith.addi %add3A_143, %add3A_144 : i32
    %add3A_146 = vector.broadcast %add3A_145 : i32 to vector<16xi32>
    %add3A_147 = arith.addi %iota3A, %add3A_146 : vector<16xi32>
    %swap3A_148 = arith.constant 224 : index
    %swap3A_149 = tpu.vector_load %arg7[%swap3A_148] {strides = array<i32>} : memref<256xi32, #tpu.memory_space<vmem>>, vector<16xi32>,
    %swap3A_150 = vector.shape_cast %swap3A_149 : vector<16xi32> to vector<16xi32>
    %swap3A_151 = vector.shape_cast %add3A_147 : vector<16xi32> to vector<16xi32>
    tpu.vector_store %arg7[%swap3A_148], %swap3A_151 {strides = array<i32>} : memref<256xi32, #tpu.memory_space<vmem>>, vector<16xi32>,
    %add3A_152 = arith.constant 1 : i32
    %add3A_153 = arith.addi %mul3A_2, %add3A_152 : i32
    %add3A_154 = arith.constant 240 : i32
    %add3A_155 = arith.addi %add3A_153, %add3A_154 : i32
    %add3A_156 = vector.broadcast %add3A_155 : i32 to vector<16xi32>
    %add3A_157 = arith.addi %iota3A, %add3A_156 : vector<16xi32>
    %swap3A_158 = arith.constant 240 : index
    %swap3A_159 = tpu.vector_load %arg7[%swap3A_158] {strides = array<i32>} : memref<256xi32, #tpu.memory_space<vmem>>, vector<16xi32>,
    %swap3A_160 = vector.shape_cast %swap3A_159 : vector<16xi32> to vector<16xi32>
    %swap3A_161 = vector.shape_cast %add3A_157 : vector<16xi32> to vector<16xi32>
    tpu.vector_store %arg7[%swap3A_158], %swap3A_161 {strides = array<i32>} : memref<256xi32, #tpu.memory_space<vmem>>, vector<16xi32>,
    %dma_start3A = arith.constant 0 : i32
    %dma_start3A_162 = tpu.memref_slice %arg7[%dma_start3A] : memref<256xi32, #tpu.memory_space<vmem>> -> memref<32xi32, #tpu.memory_space<vmem>>
    %dma_start3A_163 = arith.constant 0 : i32
    %dma_start3A_164 = arith.constant 0 : i32
    %dma_start3A_165 = tpu.memref_slice %arg2[%dma_start3A_163, %dma_start3A_164] : memref<8193x1024xf32, #tpu.memory_space<hbm>> -> memref<8193x1024xf32, #tpu.memory_space<hbm>>
    tpu.enqueue_indirect_dma source(%dma_start3A_165 : memref<8193x1024xf32, #tpu.memory_space<hbm>>) target(%arg4 : memref<32x1024xf32, #tpu.memory_space<vmem>>) offsets(%dma_start3A_162 : memref<32xi32, #tpu.memory_space<vmem>>) semaphore(%arg8 : memref<!tpu.dma_semaphore, #tpu.memory_space<semaphore_mem>>)
    %dma_start3A_166 = arith.constant 32 : i32
    %dma_start3A_167 = tpu.memref_slice %arg7[%dma_start3A_166] : memref<256xi32, #tpu.memory_space<vmem>> -> memref<32xi32, #tpu.memory_space<vmem>>
    %dma_start3A_168 = arith.constant 0 : i32
    %dma_start3A_169 = arith.constant 0 : i32
    %dma_start3A_170 = tpu.memref_slice %arg2[%dma_start3A_168, %dma_start3A_169] : memref<8193x1024xf32, #tpu.memory_space<hbm>> -> memref<8193x1024xf32, #tpu.memory_space<hbm>>
    tpu.enqueue_indirect_dma source(%dma_start3A_170 : memref<8193x1024xf32, #tpu.memory_space<hbm>>) target(%arg5 : memref<32x1024xf32, #tpu.memory_space<vmem>>) offsets(%dma_start3A_167 : memref<32xi32, #tpu.memory_space<vmem>>) semaphore(%arg9 : memref<!tpu.dma_semaphore, #tpu.memory_space<semaphore_mem>>)
    %dma_start3A_171 = arith.constant 64 : i32
    %dma_start3A_172 = tpu.memref_slice %arg7[%dma_start3A_171] : memref<256xi32, #tpu.memory_space<vmem>> -> memref<32xi32, #tpu.memory_space<vmem>>
    %dma_start3A_173 = arith.constant 0 : i32
    %dma_start3A_174 = arith.constant 0 : i32
    %dma_start3A_175 = tpu.memref_slice %arg2[%dma_start3A_173, %dma_start3A_174] : memref<8193x1024xf32, #tpu.memory_space<hbm>> -> memref<8193x1024xf32, #tpu.memory_space<hbm>>
    tpu.enqueue_indirect_dma source(%dma_start3A_175 : memref<8193x1024xf32, #tpu.memory_space<hbm>>) target(%arg6 : memref<32x1024xf32, #tpu.memory_space<vmem>>) offsets(%dma_start3A_172 : memref<32xi32, #tpu.memory_space<vmem>>) semaphore(%arg10 : memref<!tpu.dma_semaphore, #tpu.memory_space<semaphore_mem>>)
    %add3A_176 = arith.constant 0 : i32
    %add3A_177 = arith.addi %mul3A_2, %add3A_176 : i32
    %dma_wait3A = arith.constant 0 : i32
    %dma_wait3A_178 = tpu.memref_slice %arg7[%dma_wait3A] : memref<256xi32, #tpu.memory_space<vmem>> -> memref<32xi32, #tpu.memory_space<vmem>>
    %dma_wait3A_179 = arith.constant 0 : i32
    %dma_wait3A_180 = arith.constant 0 : i32
    %dma_wait3A_181 = tpu.memref_slice %arg2[%dma_wait3A_179, %dma_wait3A_180] : memref<8193x1024xf32, #tpu.memory_space<hbm>> -> memref<8193x1024xf32, #tpu.memory_space<hbm>>
    tpu.wait_indirect_dma semaphore(%arg8 : memref<!tpu.dma_semaphore, #tpu.memory_space<semaphore_mem>>) src(%dma_wait3A_181 : memref<8193x1024xf32, #tpu.memory_space<hbm>>) dst(%arg4 : memref<32x1024xf32, #tpu.memory_space<vmem>>)
    %dma_start3A_182 = arith.constant 0 : i32
    %dma_start3A_183 = arith.constant 0 : i32
    %dma_start3A_184 = tpu.memref_slice %arg3[%dma_start3A_182, %add3A_177, %dma_start3A_183] : memref<4x8192x1024xf32, #tpu.memory_space<hbm>> -> memref<1x32x1024xf32, #tpu.memory_space<hbm>>
    %dma_start3A_185 = tpu.memref_squeeze %dma_start3A_184 : memref<1x32x1024xf32, #tpu.memory_space<hbm>> -> memref<32x1024xf32, #tpu.memory_space<hbm>>
    %dma_start3A_186 = arith.constant 0 : i32
    %dma_start3A_187 = tpu.memref_slice %arg3[%dma_start3A_182, %add3A_177, %dma_start3A_186] : memref<4x8192x1024xf32, #tpu.memory_space<hbm>> -> memref<1x32x1024xf32, #tpu.memory_space<hbm>>
    %dma_start3A_188 = tpu.memref_squeeze %dma_start3A_187 : memref<1x32x1024xf32, #tpu.memory_space<hbm>> -> memref<32x1024xf32, #tpu.memory_space<hbm>>
    tpu.enqueue_dma source(%arg4 : memref<32x1024xf32, #tpu.memory_space<vmem>>) target(%dma_start3A_188 : memref<32x1024xf32, #tpu.memory_space<hbm>>) target_semaphore(%arg11 : memref<!tpu.dma_semaphore, #tpu.memory_space<semaphore_mem>>)
    %dma_start3A_189 = arith.constant 1 : i32
    %dma_start3A_190 = arith.constant 0 : i32
    %dma_start3A_191 = tpu.memref_slice %arg3[%dma_start3A_189, %add3A_177, %dma_start3A_190] : memref<4x8192x1024xf32, #tpu.memory_space<hbm>> -> memref<1x32x1024xf32, #tpu.memory_space<hbm>>
    %dma_start3A_192 = tpu.memref_squeeze %dma_start3A_191 : memref<1x32x1024xf32, #tpu.memory_space<hbm>> -> memref<32x1024xf32, #tpu.memory_space<hbm>>
    %dma_start3A_193 = arith.constant 0 : i32
    %dma_start3A_194 = tpu.memref_slice %arg3[%dma_start3A_189, %add3A_177, %dma_start3A_193] : memref<4x8192x1024xf32, #tpu.memory_space<hbm>> -> memref<1x32x1024xf32, #tpu.memory_space<hbm>>
    %dma_start3A_195 = tpu.memref_squeeze %dma_start3A_194 : memref<1x32x1024xf32, #tpu.memory_space<hbm>> -> memref<32x1024xf32, #tpu.memory_space<hbm>>
    tpu.enqueue_dma source(%arg4 : memref<32x1024xf32, #tpu.memory_space<vmem>>) target(%dma_start3A_195 : memref<32x1024xf32, #tpu.memory_space<hbm>>) target_semaphore(%arg11 : memref<!tpu.dma_semaphore, #tpu.memory_space<semaphore_mem>>)
    %dma_start3A_196 = arith.constant 2 : i32
    %dma_start3A_197 = arith.constant 0 : i32
    %dma_start3A_198 = tpu.memref_slice %arg3[%dma_start3A_196, %add3A_177, %dma_start3A_197] : memref<4x8192x1024xf32, #tpu.memory_space<hbm>> -> memref<1x32x1024xf32, #tpu.memory_space<hbm>>
    %dma_start3A_199 = tpu.memref_squeeze %dma_start3A_198 : memref<1x32x1024xf32, #tpu.memory_space<hbm>> -> memref<32x1024xf32, #tpu.memory_space<hbm>>
    %dma_start3A_200 = arith.constant 0 : i32
    %dma_start3A_201 = tpu.memref_slice %arg3[%dma_start3A_196, %add3A_177, %dma_start3A_200] : memref<4x8192x1024xf32, #tpu.memory_space<hbm>> -> memref<1x32x1024xf32, #tpu.memory_space<hbm>>
    %dma_start3A_202 = tpu.memref_squeeze %dma_start3A_201 : memref<1x32x1024xf32, #tpu.memory_space<hbm>> -> memref<32x1024xf32, #tpu.memory_space<hbm>>
    tpu.enqueue_dma source(%arg4 : memref<32x1024xf32, #tpu.memory_space<vmem>>) target(%dma_start3A_202 : memref<32x1024xf32, #tpu.memory_space<hbm>>) target_semaphore(%arg11 : memref<!tpu.dma_semaphore, #tpu.memory_space<semaphore_mem>>)
    %dma_start3A_203 = arith.constant 3 : i32
    %dma_start3A_204 = arith.constant 0 : i32
    %dma_start3A_205 = tpu.memref_slice %arg3[%dma_start3A_203, %add3A_177, %dma_start3A_204] : memref<4x8192x1024xf32, #tpu.memory_space<hbm>> -> memref<1x32x1024xf32, #tpu.memory_space<hbm>>
    %dma_start3A_206 = tpu.memref_squeeze %dma_start3A_205 : memref<1x32x1024xf32, #tpu.memory_space<hbm>> -> memref<32x1024xf32, #tpu.memory_space<hbm>>
    %dma_start3A_207 = arith.constant 0 : i32
    %dma_start3A_208 = tpu.memref_slice %arg3[%dma_start3A_203, %add3A_177, %dma_start3A_207] : memref<4x8192x1024xf32, #tpu.memory_space<hbm>> -> memref<1x32x1024xf32, #tpu.memory_space<hbm>>
    %dma_start3A_209 = tpu.memref_squeeze %dma_start3A_208 : memref<1x32x1024xf32, #tpu.memory_space<hbm>> -> memref<32x1024xf32, #tpu.memory_space<hbm>>
    tpu.enqueue_dma source(%arg4 : memref<32x1024xf32, #tpu.memory_space<vmem>>) target(%dma_start3A_209 : memref<32x1024xf32, #tpu.memory_space<hbm>>) target_semaphore(%arg11 : memref<!tpu.dma_semaphore, #tpu.memory_space<semaphore_mem>>)
    %add3A_210 = arith.constant 32 : i32
    %add3A_211 = arith.addi %mul3A_2, %add3A_210 : i32
    %dma_wait3A_212 = arith.constant 32 : i32
    %dma_wait3A_213 = tpu.memref_slice %arg7[%dma_wait3A_212] : memref<256xi32, #tpu.memory_space<vmem>> -> memref<32xi32, #tpu.memory_space<vmem>>
    %dma_wait3A_214 = arith.constant 0 : i32
    %dma_wait3A_215 = arith.constant 0 : i32
    %dma_wait3A_216 = tpu.memref_slice %arg2[%dma_wait3A_214, %dma_wait3A_215] : memref<8193x1024xf32, #tpu.memory_space<hbm>> -> memref<8193x1024xf32, #tpu.memory_space<hbm>>
    tpu.wait_indirect_dma semaphore(%arg9 : memref<!tpu.dma_semaphore, #tpu.memory_space<semaphore_mem>>) src(%dma_wait3A_216 : memref<8193x1024xf32, #tpu.memory_space<hbm>>) dst(%arg5 : memref<32x1024xf32, #tpu.memory_space<vmem>>)
    %dma_start3A_217 = arith.constant 0 : i32
    %dma_start3A_218 = arith.constant 0 : i32
    %dma_start3A_219 = tpu.memref_slice %arg3[%dma_start3A_217, %add3A_211, %dma_start3A_218] : memref<4x8192x1024xf32, #tpu.memory_space<hbm>> -> memref<1x32x1024xf32, #tpu.memory_space<hbm>>
    %dma_start3A_220 = tpu.memref_squeeze %dma_start3A_219 : memref<1x32x1024xf32, #tpu.memory_space<hbm>> -> memref<32x1024xf32, #tpu.memory_space<hbm>>
    %dma_start3A_221 = arith.constant 0 : i32
    %dma_start3A_222 = tpu.memref_slice %arg3[%dma_start3A_217, %add3A_211, %dma_start3A_221] : memref<4x8192x1024xf32, #tpu.memory_space<hbm>> -> memref<1x32x1024xf32, #tpu.memory_space<hbm>>
    %dma_start3A_223 = tpu.memref_squeeze %dma_start3A_222 : memref<1x32x1024xf32, #tpu.memory_space<hbm>> -> memref<32x1024xf32, #tpu.memory_space<hbm>>
    tpu.enqueue_dma source(%arg5 : memref<32x1024xf32, #tpu.memory_space<vmem>>) target(%dma_start3A_223 : memref<32x1024xf32, #tpu.memory_space<hbm>>) target_semaphore(%arg12 : memref<!tpu.dma_semaphore, #tpu.memory_space<semaphore_mem>>)
    %dma_start3A_224 = arith.constant 1 : i32
    %dma_start3A_225 = arith.constant 0 : i32
    %dma_start3A_226 = tpu.memref_slice %arg3[%dma_start3A_224, %add3A_211, %dma_start3A_225] : memref<4x8192x1024xf32, #tpu.memory_space<hbm>> -> memref<1x32x1024xf32, #tpu.memory_space<hbm>>
    %dma_start3A_227 = tpu.memref_squeeze %dma_start3A_226 : memref<1x32x1024xf32, #tpu.memory_space<hbm>> -> memref<32x1024xf32, #tpu.memory_space<hbm>>
    %dma_start3A_228 = arith.constant 0 : i32
    %dma_start3A_229 = tpu.memref_slice %arg3[%dma_start3A_224, %add3A_211, %dma_start3A_228] : memref<4x8192x1024xf32, #tpu.memory_space<hbm>> -> memref<1x32x1024xf32, #tpu.memory_space<hbm>>
    %dma_start3A_230 = tpu.memref_squeeze %dma_start3A_229 : memref<1x32x1024xf32, #tpu.memory_space<hbm>> -> memref<32x1024xf32, #tpu.memory_space<hbm>>
    tpu.enqueue_dma source(%arg5 : memref<32x1024xf32, #tpu.memory_space<vmem>>) target(%dma_start3A_230 : memref<32x1024xf32, #tpu.memory_space<hbm>>) target_semaphore(%arg12 : memref<!tpu.dma_semaphore, #tpu.memory_space<semaphore_mem>>)
    %dma_start3A_231 = arith.constant 2 : i32
    %dma_start3A_232 = arith.constant 0 : i32
    %dma_start3A_233 = tpu.memref_slice %arg3[%dma_start3A_231, %add3A_211, %dma_start3A_232] : memref<4x8192x1024xf32, #tpu.memory_space<hbm>> -> memref<1x32x1024xf32, #tpu.memory_space<hbm>>
    %dma_start3A_234 = tpu.memref_squeeze %dma_start3A_233 : memref<1x32x1024xf32, #tpu.memory_space<hbm>> -> memref<32x1024xf32, #tpu.memory_space<hbm>>
    %dma_start3A_235 = arith.constant 0 : i32
    %dma_start3A_236 = tpu.memref_slice %arg3[%dma_start3A_231, %add3A_211, %dma_start3A_235] : memref<4x8192x1024xf32, #tpu.memory_space<hbm>> -> memref<1x32x1024xf32, #tpu.memory_space<hbm>>
    %dma_start3A_237 = tpu.memref_squeeze %dma_start3A_236 : memref<1x32x1024xf32, #tpu.memory_space<hbm>> -> memref<32x1024xf32, #tpu.memory_space<hbm>>
    tpu.enqueue_dma source(%arg5 : memref<32x1024xf32, #tpu.memory_space<vmem>>) target(%dma_start3A_237 : memref<32x1024xf32, #tpu.memory_space<hbm>>) target_semaphore(%arg12 : memref<!tpu.dma_semaphore, #tpu.memory_space<semaphore_mem>>)
    %dma_start3A_238 = arith.constant 3 : i32
    %dma_start3A_239 = arith.constant 0 : i32
    %dma_start3A_240 = tpu.memref_slice %arg3[%dma_start3A_238, %add3A_211, %dma_start3A_239] : memref<4x8192x1024xf32, #tpu.memory_space<hbm>> -> memref<1x32x1024xf32, #tpu.memory_space<hbm>>
    %dma_start3A_241 = tpu.memref_squeeze %dma_start3A_240 : memref<1x32x1024xf32, #tpu.memory_space<hbm>> -> memref<32x1024xf32, #tpu.memory_space<hbm>>
    %dma_start3A_242 = arith.constant 0 : i32
    %dma_start3A_243 = tpu.memref_slice %arg3[%dma_start3A_238, %add3A_211, %dma_start3A_242] : memref<4x8192x1024xf32, #tpu.memory_space<hbm>> -> memref<1x32x1024xf32, #tpu.memory_space<hbm>>
    %dma_start3A_244 = tpu.memref_squeeze %dma_start3A_243 : memref<1x32x1024xf32, #tpu.memory_space<hbm>> -> memref<32x1024xf32, #tpu.memory_space<hbm>>
    tpu.enqueue_dma source(%arg5 : memref<32x1024xf32, #tpu.memory_space<vmem>>) target(%dma_start3A_244 : memref<32x1024xf32, #tpu.memory_space<hbm>>) target_semaphore(%arg12 : memref<!tpu.dma_semaphore, #tpu.memory_space<semaphore_mem>>)
    %dma_wait3A_245 = arith.constant 0 : i32
    %dma_wait3A_246 = arith.constant 0 : i32
    %dma_wait3A_247 = tpu.memref_slice %arg3[%dma_wait3A_245, %add3A_177, %dma_wait3A_246] : memref<4x8192x1024xf32, #tpu.memory_space<hbm>> -> memref<1x32x1024xf32, #tpu.memory_space<hbm>>
    %dma_wait3A_248 = tpu.memref_squeeze %dma_wait3A_247 : memref<1x32x1024xf32, #tpu.memory_space<hbm>> -> memref<32x1024xf32, #tpu.memory_space<hbm>>
    %dma_wait3A_249 = arith.constant 0 : i32
    %dma_wait3A_250 = tpu.memref_slice %arg3[%dma_wait3A_245, %add3A_177, %dma_wait3A_249] : memref<4x8192x1024xf32, #tpu.memory_space<hbm>> -> memref<1x32x1024xf32, #tpu.memory_space<hbm>>
    %dma_wait3A_251 = tpu.memref_squeeze %dma_wait3A_250 : memref<1x32x1024xf32, #tpu.memory_space<hbm>> -> memref<32x1024xf32, #tpu.memory_space<hbm>>
    tpu.wait_dma2 semaphore(%arg11 : memref<!tpu.dma_semaphore, #tpu.memory_space<semaphore_mem>>) src(%arg4 : memref<32x1024xf32, #tpu.memory_space<vmem>>) dst(%dma_wait3A_251 : memref<32x1024xf32, #tpu.memory_space<hbm>>)
    %dma_wait3A_252 = arith.constant 1 : i32
    %dma_wait3A_253 = arith.constant 0 : i32
    %dma_wait3A_254 = tpu.memref_slice %arg3[%dma_wait3A_252, %add3A_177, %dma_wait3A_253] : memref<4x8192x1024xf32, #tpu.memory_space<hbm>> -> memref<1x32x1024xf32, #tpu.memory_space<hbm>>
    %dma_wait3A_255 = tpu.memref_squeeze %dma_wait3A_254 : memref<1x32x1024xf32, #tpu.memory_space<hbm>> -> memref<32x1024xf32, #tpu.memory_space<hbm>>
    %dma_wait3A_256 = arith.constant 0 : i32
    %dma_wait3A_257 = tpu.memref_slice %arg3[%dma_wait3A_252, %add3A_177, %dma_wait3A_256] : memref<4x8192x1024xf32, #tpu.memory_space<hbm>> -> memref<1x32x1024xf32, #tpu.memory_space<hbm>>
    %dma_wait3A_258 = tpu.memref_squeeze %dma_wait3A_257 : memref<1x32x1024xf32, #tpu.memory_space<hbm>> -> memref<32x1024xf32, #tpu.memory_space<hbm>>
    tpu.wait_dma2 semaphore(%arg11 : memref<!tpu.dma_semaphore, #tpu.memory_space<semaphore_mem>>) src(%arg4 : memref<32x1024xf32, #tpu.memory_space<vmem>>) dst(%dma_wait3A_258 : memref<32x1024xf32, #tpu.memory_space<hbm>>)
    %dma_wait3A_259 = arith.constant 2 : i32
    %dma_wait3A_260 = arith.constant 0 : i32
    %dma_wait3A_261 = tpu.memref_slice %arg3[%dma_wait3A_259, %add3A_177, %dma_wait3A_260] : memref<4x8192x1024xf32, #tpu.memory_space<hbm>> -> memref<1x32x1024xf32, #tpu.memory_space<hbm>>
    %dma_wait3A_262 = tpu.memref_squeeze %dma_wait3A_261 : memref<1x32x1024xf32, #tpu.memory_space<hbm>> -> memref<32x1024xf32, #tpu.memory_space<hbm>>
    %dma_wait3A_263 = arith.constant 0 : i32
    %dma_wait3A_264 = tpu.memref_slice %arg3[%dma_wait3A_259, %add3A_177, %dma_wait3A_263] : memref<4x8192x1024xf32, #tpu.memory_space<hbm>> -> memref<1x32x1024xf32, #tpu.memory_space<hbm>>
    %dma_wait3A_265 = tpu.memref_squeeze %dma_wait3A_264 : memref<1x32x1024xf32, #tpu.memory_space<hbm>> -> memref<32x1024xf32, #tpu.memory_space<hbm>>
    tpu.wait_dma2 semaphore(%arg11 : memref<!tpu.dma_semaphore, #tpu.memory_space<semaphore_mem>>) src(%arg4 : memref<32x1024xf32, #tpu.memory_space<vmem>>) dst(%dma_wait3A_265 : memref<32x1024xf32, #tpu.memory_space<hbm>>)
    %dma_wait3A_266 = arith.constant 3 : i32
    %dma_wait3A_267 = arith.constant 0 : i32
    %dma_wait3A_268 = tpu.memref_slice %arg3[%dma_wait3A_266, %add3A_177, %dma_wait3A_267] : memref<4x8192x1024xf32, #tpu.memory_space<hbm>> -> memref<1x32x1024xf32, #tpu.memory_space<hbm>>
    %dma_wait3A_269 = tpu.memref_squeeze %dma_wait3A_268 : memref<1x32x1024xf32, #tpu.memory_space<hbm>> -> memref<32x1024xf32, #tpu.memory_space<hbm>>
    %dma_wait3A_270 = arith.constant 0 : i32
    %dma_wait3A_271 = tpu.memref_slice %arg3[%dma_wait3A_266, %add3A_177, %dma_wait3A_270] : memref<4x8192x1024xf32, #tpu.memory_space<hbm>> -> memref<1x32x1024xf32, #tpu.memory_space<hbm>>
    %dma_wait3A_272 = tpu.memref_squeeze %dma_wait3A_271 : memref<1x32x1024xf32, #tpu.memory_space<hbm>> -> memref<32x1024xf32, #tpu.memory_space<hbm>>
    tpu.wait_dma2 semaphore(%arg11 : memref<!tpu.dma_semaphore, #tpu.memory_space<semaphore_mem>>) src(%arg4 : memref<32x1024xf32, #tpu.memory_space<vmem>>) dst(%dma_wait3A_272 : memref<32x1024xf32, #tpu.memory_space<hbm>>)
    %dma_start3A_273 = arith.constant 96 : i32
    %dma_start3A_274 = tpu.memref_slice %arg7[%dma_start3A_273] : memref<256xi32, #tpu.memory_space<vmem>> -> memref<32xi32, #tpu.memory_space<vmem>>
    %dma_start3A_275 = arith.constant 0 : i32
    %dma_start3A_276 = arith.constant 0 : i32
    %dma_start3A_277 = tpu.memref_slice %arg2[%dma_start3A_275, %dma_start3A_276] : memref<8193x1024xf32, #tpu.memory_space<hbm>> -> memref<8193x1024xf32, #tpu.memory_space<hbm>>
    tpu.enqueue_indirect_dma source(%dma_start3A_277 : memref<8193x1024xf32, #tpu.memory_space<hbm>>) target(%arg4 : memref<32x1024xf32, #tpu.memory_space<vmem>>) offsets(%dma_start3A_274 : memref<32xi32, #tpu.memory_space<vmem>>) semaphore(%arg8 : memref<!tpu.dma_semaphore, #tpu.memory_space<semaphore_mem>>)
    %add3A_278 = arith.constant 64 : i32
    %add3A_279 = arith.addi %mul3A_2, %add3A_278 : i32
    %dma_wait3A_280 = arith.constant 64 : i32
    %dma_wait3A_281 = tpu.memref_slice %arg7[%dma_wait3A_280] : memref<256xi32, #tpu.memory_space<vmem>> -> memref<32xi32, #tpu.memory_space<vmem>>
    %dma_wait3A_282 = arith.constant 0 : i32
    %dma_wait3A_283 = arith.constant 0 : i32
    %dma_wait3A_284 = tpu.memref_slice %arg2[%dma_wait3A_282, %dma_wait3A_283] : memref<8193x1024xf32, #tpu.memory_space<hbm>> -> memref<8193x1024xf32, #tpu.memory_space<hbm>>
    tpu.wait_indirect_dma semaphore(%arg10 : memref<!tpu.dma_semaphore, #tpu.memory_space<semaphore_mem>>) src(%dma_wait3A_284 : memref<8193x1024xf32, #tpu.memory_space<hbm>>) dst(%arg6 : memref<32x1024xf32, #tpu.memory_space<vmem>>)
    %dma_start3A_285 = arith.constant 0 : i32
    %dma_start3A_286 = arith.constant 0 : i32
    %dma_start3A_287 = tpu.memref_slice %arg3[%dma_start3A_285, %add3A_279, %dma_start3A_286] : memref<4x8192x1024xf32, #tpu.memory_space<hbm>> -> memref<1x32x1024xf32, #tpu.memory_space<hbm>>
    %dma_start3A_288 = tpu.memref_squeeze %dma_start3A_287 : memref<1x32x1024xf32, #tpu.memory_space<hbm>> -> memref<32x1024xf32, #tpu.memory_space<hbm>>
    %dma_start3A_289 = arith.constant 0 : i32
    %dma_start3A_290 = tpu.memref_slice %arg3[%dma_start3A_285, %add3A_279, %dma_start3A_289] : memref<4x8192x1024xf32, #tpu.memory_space<hbm>> -> memref<1x32x1024xf32, #tpu.memory_space<hbm>>
    %dma_start3A_291 = tpu.memref_squeeze %dma_start3A_290 : memref<1x32x1024xf32, #tpu.memory_space<hbm>> -> memref<32x1024xf32, #tpu.memory_space<hbm>>
    tpu.enqueue_dma source(%arg6 : memref<32x1024xf32, #tpu.memory_space<vmem>>) target(%dma_start3A_291 : memref<32x1024xf32, #tpu.memory_space<hbm>>) target_semaphore(%arg13 : memref<!tpu.dma_semaphore, #tpu.memory_space<semaphore_mem>>)
    %dma_start3A_292 = arith.constant 1 : i32
    %dma_start3A_293 = arith.constant 0 : i32
    %dma_start3A_294 = tpu.memref_slice %arg3[%dma_start3A_292, %add3A_279, %dma_start3A_293] : memref<4x8192x1024xf32, #tpu.memory_space<hbm>> -> memref<1x32x1024xf32, #tpu.memory_space<hbm>>
    %dma_start3A_295 = tpu.memref_squeeze %dma_start3A_294 : memref<1x32x1024xf32, #tpu.memory_space<hbm>> -> memref<32x1024xf32, #tpu.memory_space<hbm>>
    %dma_start3A_296 = arith.constant 0 : i32
    %dma_start3A_297 = tpu.memref_slice %arg3[%dma_start3A_292, %add3A_279, %dma_start3A_296] : memref<4x8192x1024xf32, #tpu.memory_space<hbm>> -> memref<1x32x1024xf32, #tpu.memory_space<hbm>>
    %dma_start3A_298 = tpu.memref_squeeze %dma_start3A_297 : memref<1x32x1024xf32, #tpu.memory_space<hbm>> -> memref<32x1024xf32, #tpu.memory_space<hbm>>
    tpu.enqueue_dma source(%arg6 : memref<32x1024xf32, #tpu.memory_space<vmem>>) target(%dma_start3A_298 : memref<32x1024xf32, #tpu.memory_space<hbm>>) target_semaphore(%arg13 : memref<!tpu.dma_semaphore, #tpu.memory_space<semaphore_mem>>)
    %dma_start3A_299 = arith.constant 2 : i32
    %dma_start3A_300 = arith.constant 0 : i32
    %dma_start3A_301 = tpu.memref_slice %arg3[%dma_start3A_299, %add3A_279, %dma_start3A_300] : memref<4x8192x1024xf32, #tpu.memory_space<hbm>> -> memref<1x32x1024xf32, #tpu.memory_space<hbm>>
    %dma_start3A_302 = tpu.memref_squeeze %dma_start3A_301 : memref<1x32x1024xf32, #tpu.memory_space<hbm>> -> memref<32x1024xf32, #tpu.memory_space<hbm>>
    %dma_start3A_303 = arith.constant 0 : i32
    %dma_start3A_304 = tpu.memref_slice %arg3[%dma_start3A_299, %add3A_279, %dma_start3A_303] : memref<4x8192x1024xf32, #tpu.memory_space<hbm>> -> memref<1x32x1024xf32, #tpu.memory_space<hbm>>
    %dma_start3A_305 = tpu.memref_squeeze %dma_start3A_304 : memref<1x32x1024xf32, #tpu.memory_space<hbm>> -> memref<32x1024xf32, #tpu.memory_space<hbm>>
    tpu.enqueue_dma source(%arg6 : memref<32x1024xf32, #tpu.memory_space<vmem>>) target(%dma_start3A_305 : memref<32x1024xf32, #tpu.memory_space<hbm>>) target_semaphore(%arg13 : memref<!tpu.dma_semaphore, #tpu.memory_space<semaphore_mem>>)
    %dma_start3A_306 = arith.constant 3 : i32
    %dma_start3A_307 = arith.constant 0 : i32
    %dma_start3A_308 = tpu.memref_slice %arg3[%dma_start3A_306, %add3A_279, %dma_start3A_307] : memref<4x8192x1024xf32, #tpu.memory_space<hbm>> -> memref<1x32x1024xf32, #tpu.memory_space<hbm>>
    %dma_start3A_309 = tpu.memref_squeeze %dma_start3A_308 : memref<1x32x1024xf32, #tpu.memory_space<hbm>> -> memref<32x1024xf32, #tpu.memory_space<hbm>>
    %dma_start3A_310 = arith.constant 0 : i32
    %dma_start3A_311 = tpu.memref_slice %arg3[%dma_start3A_306, %add3A_279, %dma_start3A_310] : memref<4x8192x1024xf32, #tpu.memory_space<hbm>> -> memref<1x32x1024xf32, #tpu.memory_space<hbm>>
    %dma_start3A_312 = tpu.memref_squeeze %dma_start3A_311 : memref<1x32x1024xf32, #tpu.memory_space<hbm>> -> memref<32x1024xf32, #tpu.memory_space<hbm>>
    tpu.enqueue_dma source(%arg6 : memref<32x1024xf32, #tpu.memory_space<vmem>>) target(%dma_start3A_312 : memref<32x1024xf32, #tpu.memory_space<hbm>>) target_semaphore(%arg13 : memref<!tpu.dma_semaphore, #tpu.memory_space<semaphore_mem>>)
    %dma_wait3A_313 = arith.constant 0 : i32
    %dma_wait3A_314 = arith.constant 0 : i32
    %dma_wait3A_315 = tpu.memref_slice %arg3[%dma_wait3A_313, %add3A_211, %dma_wait3A_314] : memref<4x8192x1024xf32, #tpu.memory_space<hbm>> -> memref<1x32x1024xf32, #tpu.memory_space<hbm>>
    %dma_wait3A_316 = tpu.memref_squeeze %dma_wait3A_315 : memref<1x32x1024xf32, #tpu.memory_space<hbm>> -> memref<32x1024xf32, #tpu.memory_space<hbm>>
    %dma_wait3A_317 = arith.constant 0 : i32
    %dma_wait3A_318 = tpu.memref_slice %arg3[%dma_wait3A_313, %add3A_211, %dma_wait3A_317] : memref<4x8192x1024xf32, #tpu.memory_space<hbm>> -> memref<1x32x1024xf32, #tpu.memory_space<hbm>>
    %dma_wait3A_319 = tpu.memref_squeeze %dma_wait3A_318 : memref<1x32x1024xf32, #tpu.memory_space<hbm>> -> memref<32x1024xf32, #tpu.memory_space<hbm>>
    tpu.wait_dma2 semaphore(%arg12 : memref<!tpu.dma_semaphore, #tpu.memory_space<semaphore_mem>>) src(%arg5 : memref<32x1024xf32, #tpu.memory_space<vmem>>) dst(%dma_wait3A_319 : memref<32x1024xf32, #tpu.memory_space<hbm>>)
    %dma_wait3A_320 = arith.constant 1 : i32
    %dma_wait3A_321 = arith.constant 0 : i32
    %dma_wait3A_322 = tpu.memref_slice %arg3[%dma_wait3A_320, %add3A_211, %dma_wait3A_321] : memref<4x8192x1024xf32, #tpu.memory_space<hbm>> -> memref<1x32x1024xf32, #tpu.memory_space<hbm>>
    %dma_wait3A_323 = tpu.memref_squeeze %dma_wait3A_322 : memref<1x32x1024xf32, #tpu.memory_space<hbm>> -> memref<32x1024xf32, #tpu.memory_space<hbm>>
    %dma_wait3A_324 = arith.constant 0 : i32
    %dma_wait3A_325 = tpu.memref_slice %arg3[%dma_wait3A_320, %add3A_211, %dma_wait3A_324] : memref<4x8192x1024xf32, #tpu.memory_space<hbm>> -> memref<1x32x1024xf32, #tpu.memory_space<hbm>>
    %dma_wait3A_326 = tpu.memref_squeeze %dma_wait3A_325 : memref<1x32x1024xf32, #tpu.memory_space<hbm>> -> memref<32x1024xf32, #tpu.memory_space<hbm>>
    tpu.wait_dma2 semaphore(%arg12 : memref<!tpu.dma_semaphore, #tpu.memory_space<semaphore_mem>>) src(%arg5 : memref<32x1024xf32, #tpu.memory_space<vmem>>) dst(%dma_wait3A_326 : memref<32x1024xf32, #tpu.memory_space<hbm>>)
    %dma_wait3A_327 = arith.constant 2 : i32
    %dma_wait3A_328 = arith.constant 0 : i32
    %dma_wait3A_329 = tpu.memref_slice %arg3[%dma_wait3A_327, %add3A_211, %dma_wait3A_328] : memref<4x8192x1024xf32, #tpu.memory_space<hbm>> -> memref<1x32x1024xf32, #tpu.memory_space<hbm>>
    %dma_wait3A_330 = tpu.memref_squeeze %dma_wait3A_329 : memref<1x32x1024xf32, #tpu.memory_space<hbm>> -> memref<32x1024xf32, #tpu.memory_space<hbm>>
    %dma_wait3A_331 = arith.constant 0 : i32
    %dma_wait3A_332 = tpu.memref_slice %arg3[%dma_wait3A_327, %add3A_211, %dma_wait3A_331] : memref<4x8192x1024xf32, #tpu.memory_space<hbm>> -> memref<1x32x1024xf32, #tpu.memory_space<hbm>>
    %dma_wait3A_333 = tpu.memref_squeeze %dma_wait3A_332 : memref<1x32x1024xf32, #tpu.memory_space<hbm>> -> memref<32x1024xf32, #tpu.memory_space<hbm>>
    tpu.wait_dma2 semaphore(%arg12 : memref<!tpu.dma_semaphore, #tpu.memory_space<semaphore_mem>>) src(%arg5 : memref<32x1024xf32, #tpu.memory_space<vmem>>) dst(%dma_wait3A_333 : memref<32x1024xf32, #tpu.memory_space<hbm>>)
    %dma_wait3A_334 = arith.constant 3 : i32
    %dma_wait3A_335 = arith.constant 0 : i32
    %dma_wait3A_336 = tpu.memref_slice %arg3[%dma_wait3A_334, %add3A_211, %dma_wait3A_335] : memref<4x8192x1024xf32, #tpu.memory_space<hbm>> -> memref<1x32x1024xf32, #tpu.memory_space<hbm>>
    %dma_wait3A_337 = tpu.memref_squeeze %dma_wait3A_336 : memref<1x32x1024xf32, #tpu.memory_space<hbm>> -> memref<32x1024xf32, #tpu.memory_space<hbm>>
    %dma_wait3A_338 = arith.constant 0 : i32
    %dma_wait3A_339 = tpu.memref_slice %arg3[%dma_wait3A_334, %add3A_211, %dma_wait3A_338] : memref<4x8192x1024xf32, #tpu.memory_space<hbm>> -> memref<1x32x1024xf32, #tpu.memory_space<hbm>>
    %dma_wait3A_340 = tpu.memref_squeeze %dma_wait3A_339 : memref<1x32x1024xf32, #tpu.memory_space<hbm>> -> memref<32x1024xf32, #tpu.memory_space<hbm>>
    tpu.wait_dma2 semaphore(%arg12 : memref<!tpu.dma_semaphore, #tpu.memory_space<semaphore_mem>>) src(%arg5 : memref<32x1024xf32, #tpu.memory_space<vmem>>) dst(%dma_wait3A_340 : memref<32x1024xf32, #tpu.memory_space<hbm>>)
    %dma_start3A_341 = arith.constant 128 : i32
    %dma_start3A_342 = tpu.memref_slice %arg7[%dma_start3A_341] : memref<256xi32, #tpu.memory_space<vmem>> -> memref<32xi32, #tpu.memory_space<vmem>>
    %dma_start3A_343 = arith.constant 0 : i32
    %dma_start3A_344 = arith.constant 0 : i32
    %dma_start3A_345 = tpu.memref_slice %arg2[%dma_start3A_343, %dma_start3A_344] : memref<8193x1024xf32, #tpu.memory_space<hbm>> -> memref<8193x1024xf32, #tpu.memory_space<hbm>>
    tpu.enqueue_indirect_dma source(%dma_start3A_345 : memref<8193x1024xf32, #tpu.memory_space<hbm>>) target(%arg5 : memref<32x1024xf32, #tpu.memory_space<vmem>>) offsets(%dma_start3A_342 : memref<32xi32, #tpu.memory_space<vmem>>) semaphore(%arg9 : memref<!tpu.dma_semaphore, #tpu.memory_space<semaphore_mem>>)
    %add3A_346 = arith.constant 96 : i32
    %add3A_347 = arith.addi %mul3A_2, %add3A_346 : i32
    %dma_wait3A_348 = arith.constant 96 : i32
    %dma_wait3A_349 = tpu.memref_slice %arg7[%dma_wait3A_348] : memref<256xi32, #tpu.memory_space<vmem>> -> memref<32xi32, #tpu.memory_space<vmem>>
    %dma_wait3A_350 = arith.constant 0 : i32
    %dma_wait3A_351 = arith.constant 0 : i32
    %dma_wait3A_352 = tpu.memref_slice %arg2[%dma_wait3A_350, %dma_wait3A_351] : memref<8193x1024xf32, #tpu.memory_space<hbm>> -> memref<8193x1024xf32, #tpu.memory_space<hbm>>
    tpu.wait_indirect_dma semaphore(%arg8 : memref<!tpu.dma_semaphore, #tpu.memory_space<semaphore_mem>>) src(%dma_wait3A_352 : memref<8193x1024xf32, #tpu.memory_space<hbm>>) dst(%arg4 : memref<32x1024xf32, #tpu.memory_space<vmem>>)
    %dma_start3A_353 = arith.constant 0 : i32
    %dma_start3A_354 = arith.constant 0 : i32
    %dma_start3A_355 = tpu.memref_slice %arg3[%dma_start3A_353, %add3A_347, %dma_start3A_354] : memref<4x8192x1024xf32, #tpu.memory_space<hbm>> -> memref<1x32x1024xf32, #tpu.memory_space<hbm>>
    %dma_start3A_356 = tpu.memref_squeeze %dma_start3A_355 : memref<1x32x1024xf32, #tpu.memory_space<hbm>> -> memref<32x1024xf32, #tpu.memory_space<hbm>>
    %dma_start3A_357 = arith.constant 0 : i32
    %dma_start3A_358 = tpu.memref_slice %arg3[%dma_start3A_353, %add3A_347, %dma_start3A_357] : memref<4x8192x1024xf32, #tpu.memory_space<hbm>> -> memref<1x32x1024xf32, #tpu.memory_space<hbm>>
    %dma_start3A_359 = tpu.memref_squeeze %dma_start3A_358 : memref<1x32x1024xf32, #tpu.memory_space<hbm>> -> memref<32x1024xf32, #tpu.memory_space<hbm>>
    tpu.enqueue_dma source(%arg4 : memref<32x1024xf32, #tpu.memory_space<vmem>>) target(%dma_start3A_359 : memref<32x1024xf32, #tpu.memory_space<hbm>>) target_semaphore(%arg11 : memref<!tpu.dma_semaphore, #tpu.memory_space<semaphore_mem>>)
    %dma_start3A_360 = arith.constant 1 : i32
    %dma_start3A_361 = arith.constant 0 : i32
    %dma_start3A_362 = tpu.memref_slice %arg3[%dma_start3A_360, %add3A_347, %dma_start3A_361] : memref<4x8192x1024xf32, #tpu.memory_space<hbm>> -> memref<1x32x1024xf32, #tpu.memory_space<hbm>>
    %dma_start3A_363 = tpu.memref_squeeze %dma_start3A_362 : memref<1x32x1024xf32, #tpu.memory_space<hbm>> -> memref<32x1024xf32, #tpu.memory_space<hbm>>
    %dma_start3A_364 = arith.constant 0 : i32
    %dma_start3A_365 = tpu.memref_slice %arg3[%dma_start3A_360, %add3A_347, %dma_start3A_364] : memref<4x8192x1024xf32, #tpu.memory_space<hbm>> -> memref<1x32x1024xf32, #tpu.memory_space<hbm>>
    %dma_start3A_366 = tpu.memref_squeeze %dma_start3A_365 : memref<1x32x1024xf32, #tpu.memory_space<hbm>> -> memref<32x1024xf32, #tpu.memory_space<hbm>>
    tpu.enqueue_dma source(%arg4 : memref<32x1024xf32, #tpu.memory_space<vmem>>) target(%dma_start3A_366 : memref<32x1024xf32, #tpu.memory_space<hbm>>) target_semaphore(%arg11 : memref<!tpu.dma_semaphore, #tpu.memory_space<semaphore_mem>>)
    %dma_start3A_367 = arith.constant 2 : i32
    %dma_start3A_368 = arith.constant 0 : i32
    %dma_start3A_369 = tpu.memref_slice %arg3[%dma_start3A_367, %add3A_347, %dma_start3A_368] : memref<4x8192x1024xf32, #tpu.memory_space<hbm>> -> memref<1x32x1024xf32, #tpu.memory_space<hbm>>
    %dma_start3A_370 = tpu.memref_squeeze %dma_start3A_369 : memref<1x32x1024xf32, #tpu.memory_space<hbm>> -> memref<32x1024xf32, #tpu.memory_space<hbm>>
    %dma_start3A_371 = arith.constant 0 : i32
    %dma_start3A_372 = tpu.memref_slice %arg3[%dma_start3A_367, %add3A_347, %dma_start3A_371] : memref<4x8192x1024xf32, #tpu.memory_space<hbm>> -> memref<1x32x1024xf32, #tpu.memory_space<hbm>>
    %dma_start3A_373 = tpu.memref_squeeze %dma_start3A_372 : memref<1x32x1024xf32, #tpu.memory_space<hbm>> -> memref<32x1024xf32, #tpu.memory_space<hbm>>
    tpu.enqueue_dma source(%arg4 : memref<32x1024xf32, #tpu.memory_space<vmem>>) target(%dma_start3A_373 : memref<32x1024xf32, #tpu.memory_space<hbm>>) target_semaphore(%arg11 : memref<!tpu.dma_semaphore, #tpu.memory_space<semaphore_mem>>)
    %dma_start3A_374 = arith.constant 3 : i32
    %dma_start3A_375 = arith.constant 0 : i32
    %dma_start3A_376 = tpu.memref_slice %arg3[%dma_start3A_374, %add3A_347, %dma_start3A_375] : memref<4x8192x1024xf32, #tpu.memory_space<hbm>> -> memref<1x32x1024xf32, #tpu.memory_space<hbm>>
    %dma_start3A_377 = tpu.memref_squeeze %dma_start3A_376 : memref<1x32x1024xf32, #tpu.memory_space<hbm>> -> memref<32x1024xf32, #tpu.memory_space<hbm>>
    %dma_start3A_378 = arith.constant 0 : i32
    %dma_start3A_379 = tpu.memref_slice %arg3[%dma_start3A_374, %add3A_347, %dma_start3A_378] : memref<4x8192x1024xf32, #tpu.memory_space<hbm>> -> memref<1x32x1024xf32, #tpu.memory_space<hbm>>
    %dma_start3A_380 = tpu.memref_squeeze %dma_start3A_379 : memref<1x32x1024xf32, #tpu.memory_space<hbm>> -> memref<32x1024xf32, #tpu.memory_space<hbm>>
    tpu.enqueue_dma source(%arg4 : memref<32x1024xf32, #tpu.memory_space<vmem>>) target(%dma_start3A_380 : memref<32x1024xf32, #tpu.memory_space<hbm>>) target_semaphore(%arg11 : memref<!tpu.dma_semaphore, #tpu.memory_space<semaphore_mem>>)
    %dma_wait3A_381 = arith.constant 0 : i32
    %dma_wait3A_382 = arith.constant 0 : i32
    %dma_wait3A_383 = tpu.memref_slice %arg3[%dma_wait3A_381, %add3A_279, %dma_wait3A_382] : memref<4x8192x1024xf32, #tpu.memory_space<hbm>> -> memref<1x32x1024xf32, #tpu.memory_space<hbm>>
    %dma_wait3A_384 = tpu.memref_squeeze %dma_wait3A_383 : memref<1x32x1024xf32, #tpu.memory_space<hbm>> -> memref<32x1024xf32, #tpu.memory_space<hbm>>
    %dma_wait3A_385 = arith.constant 0 : i32
    %dma_wait3A_386 = tpu.memref_slice %arg3[%dma_wait3A_381, %add3A_279, %dma_wait3A_385] : memref<4x8192x1024xf32, #tpu.memory_space<hbm>> -> memref<1x32x1024xf32, #tpu.memory_space<hbm>>
    %dma_wait3A_387 = tpu.memref_squeeze %dma_wait3A_386 : memref<1x32x1024xf32, #tpu.memory_space<hbm>> -> memref<32x1024xf32, #tpu.memory_space<hbm>>
    tpu.wait_dma2 semaphore(%arg13 : memref<!tpu.dma_semaphore, #tpu.memory_space<semaphore_mem>>) src(%arg6 : memref<32x1024xf32, #tpu.memory_space<vmem>>) dst(%dma_wait3A_387 : memref<32x1024xf32, #tpu.memory_space<hbm>>)
    %dma_wait3A_388 = arith.constant 1 : i32
    %dma_wait3A_389 = arith.constant 0 : i32
    %dma_wait3A_390 = tpu.memref_slice %arg3[%dma_wait3A_388, %add3A_279, %dma_wait3A_389] : memref<4x8192x1024xf32, #tpu.memory_space<hbm>> -> memref<1x32x1024xf32, #tpu.memory_space<hbm>>
    %dma_wait3A_391 = tpu.memref_squeeze %dma_wait3A_390 : memref<1x32x1024xf32, #tpu.memory_space<hbm>> -> memref<32x1024xf32, #tpu.memory_space<hbm>>
    %dma_wait3A_392 = arith.constant 0 : i32
    %dma_wait3A_393 = tpu.memref_slice %arg3[%dma_wait3A_388, %add3A_279, %dma_wait3A_392] : memref<4x8192x1024xf32, #tpu.memory_space<hbm>> -> memref<1x32x1024xf32, #tpu.memory_space<hbm>>
    %dma_wait3A_394 = tpu.memref_squeeze %dma_wait3A_393 : memref<1x32x1024xf32, #tpu.memory_space<hbm>> -> memref<32x1024xf32, #tpu.memory_space<hbm>>
    tpu.wait_dma2 semaphore(%arg13 : memref<!tpu.dma_semaphore, #tpu.memory_space<semaphore_mem>>) src(%arg6 : memref<32x1024xf32, #tpu.memory_space<vmem>>) dst(%dma_wait3A_394 : memref<32x1024xf32, #tpu.memory_space<hbm>>)
    %dma_wait3A_395 = arith.constant 2 : i32
    %dma_wait3A_396 = arith.constant 0 : i32
    %dma_wait3A_397 = tpu.memref_slice %arg3[%dma_wait3A_395, %add3A_279, %dma_wait3A_396] : memref<4x8192x1024xf32, #tpu.memory_space<hbm>> -> memref<1x32x1024xf32, #tpu.memory_space<hbm>>
    %dma_wait3A_398 = tpu.memref_squeeze %dma_wait3A_397 : memref<1x32x1024xf32, #tpu.memory_space<hbm>> -> memref<32x1024xf32, #tpu.memory_space<hbm>>
    %dma_wait3A_399 = arith.constant 0 : i32
    %dma_wait3A_400 = tpu.memref_slice %arg3[%dma_wait3A_395, %add3A_279, %dma_wait3A_399] : memref<4x8192x1024xf32, #tpu.memory_space<hbm>> -> memref<1x32x1024xf32, #tpu.memory_space<hbm>>
    %dma_wait3A_401 = tpu.memref_squeeze %dma_wait3A_400 : memref<1x32x1024xf32, #tpu.memory_space<hbm>> -> memref<32x1024xf32, #tpu.memory_space<hbm>>
    tpu.wait_dma2 semaphore(%arg13 : memref<!tpu.dma_semaphore, #tpu.memory_space<semaphore_mem>>) src(%arg6 : memref<32x1024xf32, #tpu.memory_space<vmem>>) dst(%dma_wait3A_401 : memref<32x1024xf32, #tpu.memory_space<hbm>>)
    %dma_wait3A_402 = arith.constant 3 : i32
    %dma_wait3A_403 = arith.constant 0 : i32
    %dma_wait3A_404 = tpu.memref_slice %arg3[%dma_wait3A_402, %add3A_279, %dma_wait3A_403] : memref<4x8192x1024xf32, #tpu.memory_space<hbm>> -> memref<1x32x1024xf32, #tpu.memory_space<hbm>>
    %dma_wait3A_405 = tpu.memref_squeeze %dma_wait3A_404 : memref<1x32x1024xf32, #tpu.memory_space<hbm>> -> memref<32x1024xf32, #tpu.memory_space<hbm>>
    %dma_wait3A_406 = arith.constant 0 : i32
    %dma_wait3A_407 = tpu.memref_slice %arg3[%dma_wait3A_402, %add3A_279, %dma_wait3A_406] : memref<4x8192x1024xf32, #tpu.memory_space<hbm>> -> memref<1x32x1024xf32, #tpu.memory_space<hbm>>
    %dma_wait3A_408 = tpu.memref_squeeze %dma_wait3A_407 : memref<1x32x1024xf32, #tpu.memory_space<hbm>> -> memref<32x1024xf32, #tpu.memory_space<hbm>>
    tpu.wait_dma2 semaphore(%arg13 : memref<!tpu.dma_semaphore, #tpu.memory_space<semaphore_mem>>) src(%arg6 : memref<32x1024xf32, #tpu.memory_space<vmem>>) dst(%dma_wait3A_408 : memref<32x1024xf32, #tpu.memory_space<hbm>>)
    %dma_start3A_409 = arith.constant 160 : i32
    %dma_start3A_410 = tpu.memref_slice %arg7[%dma_start3A_409] : memref<256xi32, #tpu.memory_space<vmem>> -> memref<32xi32, #tpu.memory_space<vmem>>
    %dma_start3A_411 = arith.constant 0 : i32
    %dma_start3A_412 = arith.constant 0 : i32
    %dma_start3A_413 = tpu.memref_slice %arg2[%dma_start3A_411, %dma_start3A_412] : memref<8193x1024xf32, #tpu.memory_space<hbm>> -> memref<8193x1024xf32, #tpu.memory_space<hbm>>
    tpu.enqueue_indirect_dma source(%dma_start3A_413 : memref<8193x1024xf32, #tpu.memory_space<hbm>>) target(%arg6 : memref<32x1024xf32, #tpu.memory_space<vmem>>) offsets(%dma_start3A_410 : memref<32xi32, #tpu.memory_space<vmem>>) semaphore(%arg10 : memref<!tpu.dma_semaphore, #tpu.memory_space<semaphore_mem>>)
    %add3A_414 = arith.constant 128 : i32
    %add3A_415 = arith.addi %mul3A_2, %add3A_414 : i32
    %dma_wait3A_416 = arith.constant 128 : i32
    %dma_wait3A_417 = tpu.memref_slice %arg7[%dma_wait3A_416] : memref<256xi32, #tpu.memory_space<vmem>> -> memref<32xi32, #tpu.memory_space<vmem>>
    %dma_wait3A_418 = arith.constant 0 : i32
    %dma_wait3A_419 = arith.constant 0 : i32
    %dma_wait3A_420 = tpu.memref_slice %arg2[%dma_wait3A_418, %dma_wait3A_419] : memref<8193x1024xf32, #tpu.memory_space<hbm>> -> memref<8193x1024xf32, #tpu.memory_space<hbm>>
    tpu.wait_indirect_dma semaphore(%arg9 : memref<!tpu.dma_semaphore, #tpu.memory_space<semaphore_mem>>) src(%dma_wait3A_420 : memref<8193x1024xf32, #tpu.memory_space<hbm>>) dst(%arg5 : memref<32x1024xf32, #tpu.memory_space<vmem>>)
    %dma_start3A_421 = arith.constant 0 : i32
    %dma_start3A_422 = arith.constant 0 : i32
    %dma_start3A_423 = tpu.memref_slice %arg3[%dma_start3A_421, %add3A_415, %dma_start3A_422] : memref<4x8192x1024xf32, #tpu.memory_space<hbm>> -> memref<1x32x1024xf32, #tpu.memory_space<hbm>>
    %dma_start3A_424 = tpu.memref_squeeze %dma_start3A_423 : memref<1x32x1024xf32, #tpu.memory_space<hbm>> -> memref<32x1024xf32, #tpu.memory_space<hbm>>
    %dma_start3A_425 = arith.constant 0 : i32
    %dma_start3A_426 = tpu.memref_slice %arg3[%dma_start3A_421, %add3A_415, %dma_start3A_425] : memref<4x8192x1024xf32, #tpu.memory_space<hbm>> -> memref<1x32x1024xf32, #tpu.memory_space<hbm>>
    %dma_start3A_427 = tpu.memref_squeeze %dma_start3A_426 : memref<1x32x1024xf32, #tpu.memory_space<hbm>> -> memref<32x1024xf32, #tpu.memory_space<hbm>>
    tpu.enqueue_dma source(%arg5 : memref<32x1024xf32, #tpu.memory_space<vmem>>) target(%dma_start3A_427 : memref<32x1024xf32, #tpu.memory_space<hbm>>) target_semaphore(%arg12 : memref<!tpu.dma_semaphore, #tpu.memory_space<semaphore_mem>>)
    %dma_start3A_428 = arith.constant 1 : i32
    %dma_start3A_429 = arith.constant 0 : i32
    %dma_start3A_430 = tpu.memref_slice %arg3[%dma_start3A_428, %add3A_415, %dma_start3A_429] : memref<4x8192x1024xf32, #tpu.memory_space<hbm>> -> memref<1x32x1024xf32, #tpu.memory_space<hbm>>
    %dma_start3A_431 = tpu.memref_squeeze %dma_start3A_430 : memref<1x32x1024xf32, #tpu.memory_space<hbm>> -> memref<32x1024xf32, #tpu.memory_space<hbm>>
    %dma_start3A_432 = arith.constant 0 : i32
    %dma_start3A_433 = tpu.memref_slice %arg3[%dma_start3A_428, %add3A_415, %dma_start3A_432] : memref<4x8192x1024xf32, #tpu.memory_space<hbm>> -> memref<1x32x1024xf32, #tpu.memory_space<hbm>>
    %dma_start3A_434 = tpu.memref_squeeze %dma_start3A_433 : memref<1x32x1024xf32, #tpu.memory_space<hbm>> -> memref<32x1024xf32, #tpu.memory_space<hbm>>
    tpu.enqueue_dma source(%arg5 : memref<32x1024xf32, #tpu.memory_space<vmem>>) target(%dma_start3A_434 : memref<32x1024xf32, #tpu.memory_space<hbm>>) target_semaphore(%arg12 : memref<!tpu.dma_semaphore, #tpu.memory_space<semaphore_mem>>)
    %dma_start3A_435 = arith.constant 2 : i32
    %dma_start3A_436 = arith.constant 0 : i32
    %dma_start3A_437 = tpu.memref_slice %arg3[%dma_start3A_435, %add3A_415, %dma_start3A_436] : memref<4x8192x1024xf32, #tpu.memory_space<hbm>> -> memref<1x32x1024xf32, #tpu.memory_space<hbm>>
    %dma_start3A_438 = tpu.memref_squeeze %dma_start3A_437 : memref<1x32x1024xf32, #tpu.memory_space<hbm>> -> memref<32x1024xf32, #tpu.memory_space<hbm>>
    %dma_start3A_439 = arith.constant 0 : i32
    %dma_start3A_440 = tpu.memref_slice %arg3[%dma_start3A_435, %add3A_415, %dma_start3A_439] : memref<4x8192x1024xf32, #tpu.memory_space<hbm>> -> memref<1x32x1024xf32, #tpu.memory_space<hbm>>
    %dma_start3A_441 = tpu.memref_squeeze %dma_start3A_440 : memref<1x32x1024xf32, #tpu.memory_space<hbm>> -> memref<32x1024xf32, #tpu.memory_space<hbm>>
    tpu.enqueue_dma source(%arg5 : memref<32x1024xf32, #tpu.memory_space<vmem>>) target(%dma_start3A_441 : memref<32x1024xf32, #tpu.memory_space<hbm>>) target_semaphore(%arg12 : memref<!tpu.dma_semaphore, #tpu.memory_space<semaphore_mem>>)
    %dma_start3A_442 = arith.constant 3 : i32
    %dma_start3A_443 = arith.constant 0 : i32
    %dma_start3A_444 = tpu.memref_slice %arg3[%dma_start3A_442, %add3A_415, %dma_start3A_443] : memref<4x8192x1024xf32, #tpu.memory_space<hbm>> -> memref<1x32x1024xf32, #tpu.memory_space<hbm>>
    %dma_start3A_445 = tpu.memref_squeeze %dma_start3A_444 : memref<1x32x1024xf32, #tpu.memory_space<hbm>> -> memref<32x1024xf32, #tpu.memory_space<hbm>>
    %dma_start3A_446 = arith.constant 0 : i32
    %dma_start3A_447 = tpu.memref_slice %arg3[%dma_start3A_442, %add3A_415, %dma_start3A_446] : memref<4x8192x1024xf32, #tpu.memory_space<hbm>> -> memref<1x32x1024xf32, #tpu.memory_space<hbm>>
    %dma_start3A_448 = tpu.memref_squeeze %dma_start3A_447 : memref<1x32x1024xf32, #tpu.memory_space<hbm>> -> memref<32x1024xf32, #tpu.memory_space<hbm>>
    tpu.enqueue_dma source(%arg5 : memref<32x1024xf32, #tpu.memory_space<vmem>>) target(%dma_start3A_448 : memref<32x1024xf32, #tpu.memory_space<hbm>>) target_semaphore(%arg12 : memref<!tpu.dma_semaphore, #tpu.memory_space<semaphore_mem>>)
    %dma_wait3A_449 = arith.constant 0 : i32
    %dma_wait3A_450 = arith.constant 0 : i32
    %dma_wait3A_451 = tpu.memref_slice %arg3[%dma_wait3A_449, %add3A_347, %dma_wait3A_450] : memref<4x8192x1024xf32, #tpu.memory_space<hbm>> -> memref<1x32x1024xf32, #tpu.memory_space<hbm>>
    %dma_wait3A_452 = tpu.memref_squeeze %dma_wait3A_451 : memref<1x32x1024xf32, #tpu.memory_space<hbm>> -> memref<32x1024xf32, #tpu.memory_space<hbm>>
    %dma_wait3A_453 = arith.constant 0 : i32
    %dma_wait3A_454 = tpu.memref_slice %arg3[%dma_wait3A_449, %add3A_347, %dma_wait3A_453] : memref<4x8192x1024xf32, #tpu.memory_space<hbm>> -> memref<1x32x1024xf32, #tpu.memory_space<hbm>>
    %dma_wait3A_455 = tpu.memref_squeeze %dma_wait3A_454 : memref<1x32x1024xf32, #tpu.memory_space<hbm>> -> memref<32x1024xf32, #tpu.memory_space<hbm>>
    tpu.wait_dma2 semaphore(%arg11 : memref<!tpu.dma_semaphore, #tpu.memory_space<semaphore_mem>>) src(%arg4 : memref<32x1024xf32, #tpu.memory_space<vmem>>) dst(%dma_wait3A_455 : memref<32x1024xf32, #tpu.memory_space<hbm>>)
    %dma_wait3A_456 = arith.constant 1 : i32
    %dma_wait3A_457 = arith.constant 0 : i32
    %dma_wait3A_458 = tpu.memref_slice %arg3[%dma_wait3A_456, %add3A_347, %dma_wait3A_457] : memref<4x8192x1024xf32, #tpu.memory_space<hbm>> -> memref<1x32x1024xf32, #tpu.memory_space<hbm>>
    %dma_wait3A_459 = tpu.memref_squeeze %dma_wait3A_458 : memref<1x32x1024xf32, #tpu.memory_space<hbm>> -> memref<32x1024xf32, #tpu.memory_space<hbm>>
    %dma_wait3A_460 = arith.constant 0 : i32
    %dma_wait3A_461 = tpu.memref_slice %arg3[%dma_wait3A_456, %add3A_347, %dma_wait3A_460] : memref<4x8192x1024xf32, #tpu.memory_space<hbm>> -> memref<1x32x1024xf32, #tpu.memory_space<hbm>>
    %dma_wait3A_462 = tpu.memref_squeeze %dma_wait3A_461 : memref<1x32x1024xf32, #tpu.memory_space<hbm>> -> memref<32x1024xf32, #tpu.memory_space<hbm>>
    tpu.wait_dma2 semaphore(%arg11 : memref<!tpu.dma_semaphore, #tpu.memory_space<semaphore_mem>>) src(%arg4 : memref<32x1024xf32, #tpu.memory_space<vmem>>) dst(%dma_wait3A_462 : memref<32x1024xf32, #tpu.memory_space<hbm>>)
    %dma_wait3A_463 = arith.constant 2 : i32
    %dma_wait3A_464 = arith.constant 0 : i32
    %dma_wait3A_465 = tpu.memref_slice %arg3[%dma_wait3A_463, %add3A_347, %dma_wait3A_464] : memref<4x8192x1024xf32, #tpu.memory_space<hbm>> -> memref<1x32x1024xf32, #tpu.memory_space<hbm>>
    %dma_wait3A_466 = tpu.memref_squeeze %dma_wait3A_465 : memref<1x32x1024xf32, #tpu.memory_space<hbm>> -> memref<32x1024xf32, #tpu.memory_space<hbm>>
    %dma_wait3A_467 = arith.constant 0 : i32
    %dma_wait3A_468 = tpu.memref_slice %arg3[%dma_wait3A_463, %add3A_347, %dma_wait3A_467] : memref<4x8192x1024xf32, #tpu.memory_space<hbm>> -> memref<1x32x1024xf32, #tpu.memory_space<hbm>>
    %dma_wait3A_469 = tpu.memref_squeeze %dma_wait3A_468 : memref<1x32x1024xf32, #tpu.memory_space<hbm>> -> memref<32x1024xf32, #tpu.memory_space<hbm>>
    tpu.wait_dma2 semaphore(%arg11 : memref<!tpu.dma_semaphore, #tpu.memory_space<semaphore_mem>>) src(%arg4 : memref<32x1024xf32, #tpu.memory_space<vmem>>) dst(%dma_wait3A_469 : memref<32x1024xf32, #tpu.memory_space<hbm>>)
    %dma_wait3A_470 = arith.constant 3 : i32
    %dma_wait3A_471 = arith.constant 0 : i32
    %dma_wait3A_472 = tpu.memref_slice %arg3[%dma_wait3A_470, %add3A_347, %dma_wait3A_471] : memref<4x8192x1024xf32, #tpu.memory_space<hbm>> -> memref<1x32x1024xf32, #tpu.memory_space<hbm>>
    %dma_wait3A_473 = tpu.memref_squeeze %dma_wait3A_472 : memref<1x32x1024xf32, #tpu.memory_space<hbm>> -> memref<32x1024xf32, #tpu.memory_space<hbm>>
    %dma_wait3A_474 = arith.constant 0 : i32
    %dma_wait3A_475 = tpu.memref_slice %arg3[%dma_wait3A_470, %add3A_347, %dma_wait3A_474] : memref<4x8192x1024xf32, #tpu.memory_space<hbm>> -> memref<1x32x1024xf32, #tpu.memory_space<hbm>>
    %dma_wait3A_476 = tpu.memref_squeeze %dma_wait3A_475 : memref<1x32x1024xf32, #tpu.memory_space<hbm>> -> memref<32x1024xf32, #tpu.memory_space<hbm>>
    tpu.wait_dma2 semaphore(%arg11 : memref<!tpu.dma_semaphore, #tpu.memory_space<semaphore_mem>>) src(%arg4 : memref<32x1024xf32, #tpu.memory_space<vmem>>) dst(%dma_wait3A_476 : memref<32x1024xf32, #tpu.memory_space<hbm>>)
    %dma_start3A_477 = arith.constant 192 : i32
    %dma_start3A_478 = tpu.memref_slice %arg7[%dma_start3A_477] : memref<256xi32, #tpu.memory_space<vmem>> -> memref<32xi32, #tpu.memory_space<vmem>>
    %dma_start3A_479 = arith.constant 0 : i32
    %dma_start3A_480 = arith.constant 0 : i32
    %dma_start3A_481 = tpu.memref_slice %arg2[%dma_start3A_479, %dma_start3A_480] : memref<8193x1024xf32, #tpu.memory_space<hbm>> -> memref<8193x1024xf32, #tpu.memory_space<hbm>>
    tpu.enqueue_indirect_dma source(%dma_start3A_481 : memref<8193x1024xf32, #tpu.memory_space<hbm>>) target(%arg4 : memref<32x1024xf32, #tpu.memory_space<vmem>>) offsets(%dma_start3A_478 : memref<32xi32, #tpu.memory_space<vmem>>) semaphore(%arg8 : memref<!tpu.dma_semaphore, #tpu.memory_space<semaphore_mem>>)
    %add3A_482 = arith.constant 160 : i32
    %add3A_483 = arith.addi %mul3A_2, %add3A_482 : i32
    %dma_wait3A_484 = arith.constant 160 : i32
    %dma_wait3A_485 = tpu.memref_slice %arg7[%dma_wait3A_484] : memref<256xi32, #tpu.memory_space<vmem>> -> memref<32xi32, #tpu.memory_space<vmem>>
    %dma_wait3A_486 = arith.constant 0 : i32
    %dma_wait3A_487 = arith.constant 0 : i32
    %dma_wait3A_488 = tpu.memref_slice %arg2[%dma_wait3A_486, %dma_wait3A_487] : memref<8193x1024xf32, #tpu.memory_space<hbm>> -> memref<8193x1024xf32, #tpu.memory_space<hbm>>
    tpu.wait_indirect_dma semaphore(%arg10 : memref<!tpu.dma_semaphore, #tpu.memory_space<semaphore_mem>>) src(%dma_wait3A_488 : memref<8193x1024xf32, #tpu.memory_space<hbm>>) dst(%arg6 : memref<32x1024xf32, #tpu.memory_space<vmem>>)
    %dma_start3A_489 = arith.constant 0 : i32
    %dma_start3A_490 = arith.constant 0 : i32
    %dma_start3A_491 = tpu.memref_slice %arg3[%dma_start3A_489, %add3A_483, %dma_start3A_490] : memref<4x8192x1024xf32, #tpu.memory_space<hbm>> -> memref<1x32x1024xf32, #tpu.memory_space<hbm>>
    %dma_start3A_492 = tpu.memref_squeeze %dma_start3A_491 : memref<1x32x1024xf32, #tpu.memory_space<hbm>> -> memref<32x1024xf32, #tpu.memory_space<hbm>>
    %dma_start3A_493 = arith.constant 0 : i32
    %dma_start3A_494 = tpu.memref_slice %arg3[%dma_start3A_489, %add3A_483, %dma_start3A_493] : memref<4x8192x1024xf32, #tpu.memory_space<hbm>> -> memref<1x32x1024xf32, #tpu.memory_space<hbm>>
    %dma_start3A_495 = tpu.memref_squeeze %dma_start3A_494 : memref<1x32x1024xf32, #tpu.memory_space<hbm>> -> memref<32x1024xf32, #tpu.memory_space<hbm>>
    tpu.enqueue_dma source(%arg6 : memref<32x1024xf32, #tpu.memory_space<vmem>>) target(%dma_start3A_495 : memref<32x1024xf32, #tpu.memory_space<hbm>>) target_semaphore(%arg13 : memref<!tpu.dma_semaphore, #tpu.memory_space<semaphore_mem>>)
    %dma_start3A_496 = arith.constant 1 : i32
    %dma_start3A_497 = arith.constant 0 : i32
    %dma_start3A_498 = tpu.memref_slice %arg3[%dma_start3A_496, %add3A_483, %dma_start3A_497] : memref<4x8192x1024xf32, #tpu.memory_space<hbm>> -> memref<1x32x1024xf32, #tpu.memory_space<hbm>>
    %dma_start3A_499 = tpu.memref_squeeze %dma_start3A_498 : memref<1x32x1024xf32, #tpu.memory_space<hbm>> -> memref<32x1024xf32, #tpu.memory_space<hbm>>
    %dma_start3A_500 = arith.constant 0 : i32
    %dma_start3A_501 = tpu.memref_slice %arg3[%dma_start3A_496, %add3A_483, %dma_start3A_500] : memref<4x8192x1024xf32, #tpu.memory_space<hbm>> -> memref<1x32x1024xf32, #tpu.memory_space<hbm>>
    %dma_start3A_502 = tpu.memref_squeeze %dma_start3A_501 : memref<1x32x1024xf32, #tpu.memory_space<hbm>> -> memref<32x1024xf32, #tpu.memory_space<hbm>>
    tpu.enqueue_dma source(%arg6 : memref<32x1024xf32, #tpu.memory_space<vmem>>) target(%dma_start3A_502 : memref<32x1024xf32, #tpu.memory_space<hbm>>) target_semaphore(%arg13 : memref<!tpu.dma_semaphore, #tpu.memory_space<semaphore_mem>>)
    %dma_start3A_503 = arith.constant 2 : i32
    %dma_start3A_504 = arith.constant 0 : i32
    %dma_start3A_505 = tpu.memref_slice %arg3[%dma_start3A_503, %add3A_483, %dma_start3A_504] : memref<4x8192x1024xf32, #tpu.memory_space<hbm>> -> memref<1x32x1024xf32, #tpu.memory_space<hbm>>
    %dma_start3A_506 = tpu.memref_squeeze %dma_start3A_505 : memref<1x32x1024xf32, #tpu.memory_space<hbm>> -> memref<32x1024xf32, #tpu.memory_space<hbm>>
    %dma_start3A_507 = arith.constant 0 : i32
    %dma_start3A_508 = tpu.memref_slice %arg3[%dma_start3A_503, %add3A_483, %dma_start3A_507] : memref<4x8192x1024xf32, #tpu.memory_space<hbm>> -> memref<1x32x1024xf32, #tpu.memory_space<hbm>>
    %dma_start3A_509 = tpu.memref_squeeze %dma_start3A_508 : memref<1x32x1024xf32, #tpu.memory_space<hbm>> -> memref<32x1024xf32, #tpu.memory_space<hbm>>
    tpu.enqueue_dma source(%arg6 : memref<32x1024xf32, #tpu.memory_space<vmem>>) target(%dma_start3A_509 : memref<32x1024xf32, #tpu.memory_space<hbm>>) target_semaphore(%arg13 : memref<!tpu.dma_semaphore, #tpu.memory_space<semaphore_mem>>)
    %dma_start3A_510 = arith.constant 3 : i32
    %dma_start3A_511 = arith.constant 0 : i32
    %dma_start3A_512 = tpu.memref_slice %arg3[%dma_start3A_510, %add3A_483, %dma_start3A_511] : memref<4x8192x1024xf32, #tpu.memory_space<hbm>> -> memref<1x32x1024xf32, #tpu.memory_space<hbm>>
    %dma_start3A_513 = tpu.memref_squeeze %dma_start3A_512 : memref<1x32x1024xf32, #tpu.memory_space<hbm>> -> memref<32x1024xf32, #tpu.memory_space<hbm>>
    %dma_start3A_514 = arith.constant 0 : i32
    %dma_start3A_515 = tpu.memref_slice %arg3[%dma_start3A_510, %add3A_483, %dma_start3A_514] : memref<4x8192x1024xf32, #tpu.memory_space<hbm>> -> memref<1x32x1024xf32, #tpu.memory_space<hbm>>
    %dma_start3A_516 = tpu.memref_squeeze %dma_start3A_515 : memref<1x32x1024xf32, #tpu.memory_space<hbm>> -> memref<32x1024xf32, #tpu.memory_space<hbm>>
    tpu.enqueue_dma source(%arg6 : memref<32x1024xf32, #tpu.memory_space<vmem>>) target(%dma_start3A_516 : memref<32x1024xf32, #tpu.memory_space<hbm>>) target_semaphore(%arg13 : memref<!tpu.dma_semaphore, #tpu.memory_space<semaphore_mem>>)
    %dma_wait3A_517 = arith.constant 0 : i32
    %dma_wait3A_518 = arith.constant 0 : i32
    %dma_wait3A_519 = tpu.memref_slice %arg3[%dma_wait3A_517, %add3A_415, %dma_wait3A_518] : memref<4x8192x1024xf32, #tpu.memory_space<hbm>> -> memref<1x32x1024xf32, #tpu.memory_space<hbm>>
    %dma_wait3A_520 = tpu.memref_squeeze %dma_wait3A_519 : memref<1x32x1024xf32, #tpu.memory_space<hbm>> -> memref<32x1024xf32, #tpu.memory_space<hbm>>
    %dma_wait3A_521 = arith.constant 0 : i32
    %dma_wait3A_522 = tpu.memref_slice %arg3[%dma_wait3A_517, %add3A_415, %dma_wait3A_521] : memref<4x8192x1024xf32, #tpu.memory_space<hbm>> -> memref<1x32x1024xf32, #tpu.memory_space<hbm>>
    %dma_wait3A_523 = tpu.memref_squeeze %dma_wait3A_522 : memref<1x32x1024xf32, #tpu.memory_space<hbm>> -> memref<32x1024xf32, #tpu.memory_space<hbm>>
    tpu.wait_dma2 semaphore(%arg12 : memref<!tpu.dma_semaphore, #tpu.memory_space<semaphore_mem>>) src(%arg5 : memref<32x1024xf32, #tpu.memory_space<vmem>>) dst(%dma_wait3A_523 : memref<32x1024xf32, #tpu.memory_space<hbm>>)
    %dma_wait3A_524 = arith.constant 1 : i32
    %dma_wait3A_525 = arith.constant 0 : i32
    %dma_wait3A_526 = tpu.memref_slice %arg3[%dma_wait3A_524, %add3A_415, %dma_wait3A_525] : memref<4x8192x1024xf32, #tpu.memory_space<hbm>> -> memref<1x32x1024xf32, #tpu.memory_space<hbm>>
    %dma_wait3A_527 = tpu.memref_squeeze %dma_wait3A_526 : memref<1x32x1024xf32, #tpu.memory_space<hbm>> -> memref<32x1024xf32, #tpu.memory_space<hbm>>
    %dma_wait3A_528 = arith.constant 0 : i32
    %dma_wait3A_529 = tpu.memref_slice %arg3[%dma_wait3A_524, %add3A_415, %dma_wait3A_528] : memref<4x8192x1024xf32, #tpu.memory_space<hbm>> -> memref<1x32x1024xf32, #tpu.memory_space<hbm>>
    %dma_wait3A_530 = tpu.memref_squeeze %dma_wait3A_529 : memref<1x32x1024xf32, #tpu.memory_space<hbm>> -> memref<32x1024xf32, #tpu.memory_space<hbm>>
    tpu.wait_dma2 semaphore(%arg12 : memref<!tpu.dma_semaphore, #tpu.memory_space<semaphore_mem>>) src(%arg5 : memref<32x1024xf32, #tpu.memory_space<vmem>>) dst(%dma_wait3A_530 : memref<32x1024xf32, #tpu.memory_space<hbm>>)
    %dma_wait3A_531 = arith.constant 2 : i32
    %dma_wait3A_532 = arith.constant 0 : i32
    %dma_wait3A_533 = tpu.memref_slice %arg3[%dma_wait3A_531, %add3A_415, %dma_wait3A_532] : memref<4x8192x1024xf32, #tpu.memory_space<hbm>> -> memref<1x32x1024xf32, #tpu.memory_space<hbm>>
    %dma_wait3A_534 = tpu.memref_squeeze %dma_wait3A_533 : memref<1x32x1024xf32, #tpu.memory_space<hbm>> -> memref<32x1024xf32, #tpu.memory_space<hbm>>
    %dma_wait3A_535 = arith.constant 0 : i32
    %dma_wait3A_536 = tpu.memref_slice %arg3[%dma_wait3A_531, %add3A_415, %dma_wait3A_535] : memref<4x8192x1024xf32, #tpu.memory_space<hbm>> -> memref<1x32x1024xf32, #tpu.memory_space<hbm>>
    %dma_wait3A_537 = tpu.memref_squeeze %dma_wait3A_536 : memref<1x32x1024xf32, #tpu.memory_space<hbm>> -> memref<32x1024xf32, #tpu.memory_space<hbm>>
    tpu.wait_dma2 semaphore(%arg12 : memref<!tpu.dma_semaphore, #tpu.memory_space<semaphore_mem>>) src(%arg5 : memref<32x1024xf32, #tpu.memory_space<vmem>>) dst(%dma_wait3A_537 : memref<32x1024xf32, #tpu.memory_space<hbm>>)
    %dma_wait3A_538 = arith.constant 3 : i32
    %dma_wait3A_539 = arith.constant 0 : i32
    %dma_wait3A_540 = tpu.memref_slice %arg3[%dma_wait3A_538, %add3A_415, %dma_wait3A_539] : memref<4x8192x1024xf32, #tpu.memory_space<hbm>> -> memref<1x32x1024xf32, #tpu.memory_space<hbm>>
    %dma_wait3A_541 = tpu.memref_squeeze %dma_wait3A_540 : memref<1x32x1024xf32, #tpu.memory_space<hbm>> -> memref<32x1024xf32, #tpu.memory_space<hbm>>
    %dma_wait3A_542 = arith.constant 0 : i32
    %dma_wait3A_543 = tpu.memref_slice %arg3[%dma_wait3A_538, %add3A_415, %dma_wait3A_542] : memref<4x8192x1024xf32, #tpu.memory_space<hbm>> -> memref<1x32x1024xf32, #tpu.memory_space<hbm>>
    %dma_wait3A_544 = tpu.memref_squeeze %dma_wait3A_543 : memref<1x32x1024xf32, #tpu.memory_space<hbm>> -> memref<32x1024xf32, #tpu.memory_space<hbm>>
    tpu.wait_dma2 semaphore(%arg12 : memref<!tpu.dma_semaphore, #tpu.memory_space<semaphore_mem>>) src(%arg5 : memref<32x1024xf32, #tpu.memory_space<vmem>>) dst(%dma_wait3A_544 : memref<32x1024xf32, #tpu.memory_space<hbm>>)
    %dma_start3A_545 = arith.constant 224 : i32
    %dma_start3A_546 = tpu.memref_slice %arg7[%dma_start3A_545] : memref<256xi32, #tpu.memory_space<vmem>> -> memref<32xi32, #tpu.memory_space<vmem>>
    %dma_start3A_547 = arith.constant 0 : i32
    %dma_start3A_548 = arith.constant 0 : i32
    %dma_start3A_549 = tpu.memref_slice %arg2[%dma_start3A_547, %dma_start3A_548] : memref<8193x1024xf32, #tpu.memory_space<hbm>> -> memref<8193x1024xf32, #tpu.memory_space<hbm>>
    tpu.enqueue_indirect_dma source(%dma_start3A_549 : memref<8193x1024xf32, #tpu.memory_space<hbm>>) target(%arg5 : memref<32x1024xf32, #tpu.memory_space<vmem>>) offsets(%dma_start3A_546 : memref<32xi32, #tpu.memory_space<vmem>>) semaphore(%arg9 : memref<!tpu.dma_semaphore, #tpu.memory_space<semaphore_mem>>)
    %add3A_550 = arith.constant 192 : i32
    %add3A_551 = arith.addi %mul3A_2, %add3A_550 : i32
    %dma_wait3A_552 = arith.constant 192 : i32
    %dma_wait3A_553 = tpu.memref_slice %arg7[%dma_wait3A_552] : memref<256xi32, #tpu.memory_space<vmem>> -> memref<32xi32, #tpu.memory_space<vmem>>
    %dma_wait3A_554 = arith.constant 0 : i32
    %dma_wait3A_555 = arith.constant 0 : i32
    %dma_wait3A_556 = tpu.memref_slice %arg2[%dma_wait3A_554, %dma_wait3A_555] : memref<8193x1024xf32, #tpu.memory_space<hbm>> -> memref<8193x1024xf32, #tpu.memory_space<hbm>>
    tpu.wait_indirect_dma semaphore(%arg8 : memref<!tpu.dma_semaphore, #tpu.memory_space<semaphore_mem>>) src(%dma_wait3A_556 : memref<8193x1024xf32, #tpu.memory_space<hbm>>) dst(%arg4 : memref<32x1024xf32, #tpu.memory_space<vmem>>)
    %dma_start3A_557 = arith.constant 0 : i32
    %dma_start3A_558 = arith.constant 0 : i32
    %dma_start3A_559 = tpu.memref_slice %arg3[%dma_start3A_557, %add3A_551, %dma_start3A_558] : memref<4x8192x1024xf32, #tpu.memory_space<hbm>> -> memref<1x32x1024xf32, #tpu.memory_space<hbm>>
    %dma_start3A_560 = tpu.memref_squeeze %dma_start3A_559 : memref<1x32x1024xf32, #tpu.memory_space<hbm>> -> memref<32x1024xf32, #tpu.memory_space<hbm>>
    %dma_start3A_561 = arith.constant 0 : i32
    %dma_start3A_562 = tpu.memref_slice %arg3[%dma_start3A_557, %add3A_551, %dma_start3A_561] : memref<4x8192x1024xf32, #tpu.memory_space<hbm>> -> memref<1x32x1024xf32, #tpu.memory_space<hbm>>
    %dma_start3A_563 = tpu.memref_squeeze %dma_start3A_562 : memref<1x32x1024xf32, #tpu.memory_space<hbm>> -> memref<32x1024xf32, #tpu.memory_space<hbm>>
    tpu.enqueue_dma source(%arg4 : memref<32x1024xf32, #tpu.memory_space<vmem>>) target(%dma_start3A_563 : memref<32x1024xf32, #tpu.memory_space<hbm>>) target_semaphore(%arg11 : memref<!tpu.dma_semaphore, #tpu.memory_space<semaphore_mem>>)
    %dma_start3A_564 = arith.constant 1 : i32
    %dma_start3A_565 = arith.constant 0 : i32
    %dma_start3A_566 = tpu.memref_slice %arg3[%dma_start3A_564, %add3A_551, %dma_start3A_565] : memref<4x8192x1024xf32, #tpu.memory_space<hbm>> -> memref<1x32x1024xf32, #tpu.memory_space<hbm>>
    %dma_start3A_567 = tpu.memref_squeeze %dma_start3A_566 : memref<1x32x1024xf32, #tpu.memory_space<hbm>> -> memref<32x1024xf32, #tpu.memory_space<hbm>>
    %dma_start3A_568 = arith.constant 0 : i32
    %dma_start3A_569 = tpu.memref_slice %arg3[%dma_start3A_564, %add3A_551, %dma_start3A_568] : memref<4x8192x1024xf32, #tpu.memory_space<hbm>> -> memref<1x32x1024xf32, #tpu.memory_space<hbm>>
    %dma_start3A_570 = tpu.memref_squeeze %dma_start3A_569 : memref<1x32x1024xf32, #tpu.memory_space<hbm>> -> memref<32x1024xf32, #tpu.memory_space<hbm>>
    tpu.enqueue_dma source(%arg4 : memref<32x1024xf32, #tpu.memory_space<vmem>>) target(%dma_start3A_570 : memref<32x1024xf32, #tpu.memory_space<hbm>>) target_semaphore(%arg11 : memref<!tpu.dma_semaphore, #tpu.memory_space<semaphore_mem>>)
    %dma_start3A_571 = arith.constant 2 : i32
    %dma_start3A_572 = arith.constant 0 : i32
    %dma_start3A_573 = tpu.memref_slice %arg3[%dma_start3A_571, %add3A_551, %dma_start3A_572] : memref<4x8192x1024xf32, #tpu.memory_space<hbm>> -> memref<1x32x1024xf32, #tpu.memory_space<hbm>>
    %dma_start3A_574 = tpu.memref_squeeze %dma_start3A_573 : memref<1x32x1024xf32, #tpu.memory_space<hbm>> -> memref<32x1024xf32, #tpu.memory_space<hbm>>
    %dma_start3A_575 = arith.constant 0 : i32
    %dma_start3A_576 = tpu.memref_slice %arg3[%dma_start3A_571, %add3A_551, %dma_start3A_575] : memref<4x8192x1024xf32, #tpu.memory_space<hbm>> -> memref<1x32x1024xf32, #tpu.memory_space<hbm>>
    %dma_start3A_577 = tpu.memref_squeeze %dma_start3A_576 : memref<1x32x1024xf32, #tpu.memory_space<hbm>> -> memref<32x1024xf32, #tpu.memory_space<hbm>>
    tpu.enqueue_dma source(%arg4 : memref<32x1024xf32, #tpu.memory_space<vmem>>) target(%dma_start3A_577 : memref<32x1024xf32, #tpu.memory_space<hbm>>) target_semaphore(%arg11 : memref<!tpu.dma_semaphore, #tpu.memory_space<semaphore_mem>>)
    %dma_start3A_578 = arith.constant 3 : i32
    %dma_start3A_579 = arith.constant 0 : i32
    %dma_start3A_580 = tpu.memref_slice %arg3[%dma_start3A_578, %add3A_551, %dma_start3A_579] : memref<4x8192x1024xf32, #tpu.memory_space<hbm>> -> memref<1x32x1024xf32, #tpu.memory_space<hbm>>
    %dma_start3A_581 = tpu.memref_squeeze %dma_start3A_580 : memref<1x32x1024xf32, #tpu.memory_space<hbm>> -> memref<32x1024xf32, #tpu.memory_space<hbm>>
    %dma_start3A_582 = arith.constant 0 : i32
    %dma_start3A_583 = tpu.memref_slice %arg3[%dma_start3A_578, %add3A_551, %dma_start3A_582] : memref<4x8192x1024xf32, #tpu.memory_space<hbm>> -> memref<1x32x1024xf32, #tpu.memory_space<hbm>>
    %dma_start3A_584 = tpu.memref_squeeze %dma_start3A_583 : memref<1x32x1024xf32, #tpu.memory_space<hbm>> -> memref<32x1024xf32, #tpu.memory_space<hbm>>
    tpu.enqueue_dma source(%arg4 : memref<32x1024xf32, #tpu.memory_space<vmem>>) target(%dma_start3A_584 : memref<32x1024xf32, #tpu.memory_space<hbm>>) target_semaphore(%arg11 : memref<!tpu.dma_semaphore, #tpu.memory_space<semaphore_mem>>)
    %add3A_585 = arith.constant 224 : i32
    %add3A_586 = arith.addi %mul3A_2, %add3A_585 : i32
    %dma_wait3A_587 = arith.constant 224 : i32
    %dma_wait3A_588 = tpu.memref_slice %arg7[%dma_wait3A_587] : memref<256xi32, #tpu.memory_space<vmem>> -> memref<32xi32, #tpu.memory_space<vmem>>
    %dma_wait3A_589 = arith.constant 0 : i32
    %dma_wait3A_590 = arith.constant 0 : i32
    %dma_wait3A_591 = tpu.memref_slice %arg2[%dma_wait3A_589, %dma_wait3A_590] : memref<8193x1024xf32, #tpu.memory_space<hbm>> -> memref<8193x1024xf32, #tpu.memory_space<hbm>>
    tpu.wait_indirect_dma semaphore(%arg9 : memref<!tpu.dma_semaphore, #tpu.memory_space<semaphore_mem>>) src(%dma_wait3A_591 : memref<8193x1024xf32, #tpu.memory_space<hbm>>) dst(%arg5 : memref<32x1024xf32, #tpu.memory_space<vmem>>)
    %dma_start3A_592 = arith.constant 0 : i32
    %dma_start3A_593 = arith.constant 0 : i32
    %dma_start3A_594 = tpu.memref_slice %arg3[%dma_start3A_592, %add3A_586, %dma_start3A_593] : memref<4x8192x1024xf32, #tpu.memory_space<hbm>> -> memref<1x32x1024xf32, #tpu.memory_space<hbm>>
    %dma_start3A_595 = tpu.memref_squeeze %dma_start3A_594 : memref<1x32x1024xf32, #tpu.memory_space<hbm>> -> memref<32x1024xf32, #tpu.memory_space<hbm>>
    %dma_start3A_596 = arith.constant 0 : i32
    %dma_start3A_597 = tpu.memref_slice %arg3[%dma_start3A_592, %add3A_586, %dma_start3A_596] : memref<4x8192x1024xf32, #tpu.memory_space<hbm>> -> memref<1x32x1024xf32, #tpu.memory_space<hbm>>
    %dma_start3A_598 = tpu.memref_squeeze %dma_start3A_597 : memref<1x32x1024xf32, #tpu.memory_space<hbm>> -> memref<32x1024xf32, #tpu.memory_space<hbm>>
    tpu.enqueue_dma source(%arg5 : memref<32x1024xf32, #tpu.memory_space<vmem>>) target(%dma_start3A_598 : memref<32x1024xf32, #tpu.memory_space<hbm>>) target_semaphore(%arg12 : memref<!tpu.dma_semaphore, #tpu.memory_space<semaphore_mem>>)
    %dma_start3A_599 = arith.constant 1 : i32
    %dma_start3A_600 = arith.constant 0 : i32
    %dma_start3A_601 = tpu.memref_slice %arg3[%dma_start3A_599, %add3A_586, %dma_start3A_600] : memref<4x8192x1024xf32, #tpu.memory_space<hbm>> -> memref<1x32x1024xf32, #tpu.memory_space<hbm>>
    %dma_start3A_602 = tpu.memref_squeeze %dma_start3A_601 : memref<1x32x1024xf32, #tpu.memory_space<hbm>> -> memref<32x1024xf32, #tpu.memory_space<hbm>>
    %dma_start3A_603 = arith.constant 0 : i32
    %dma_start3A_604 = tpu.memref_slice %arg3[%dma_start3A_599, %add3A_586, %dma_start3A_603] : memref<4x8192x1024xf32, #tpu.memory_space<hbm>> -> memref<1x32x1024xf32, #tpu.memory_space<hbm>>
    %dma_start3A_605 = tpu.memref_squeeze %dma_start3A_604 : memref<1x32x1024xf32, #tpu.memory_space<hbm>> -> memref<32x1024xf32, #tpu.memory_space<hbm>>
    tpu.enqueue_dma source(%arg5 : memref<32x1024xf32, #tpu.memory_space<vmem>>) target(%dma_start3A_605 : memref<32x1024xf32, #tpu.memory_space<hbm>>) target_semaphore(%arg12 : memref<!tpu.dma_semaphore, #tpu.memory_space<semaphore_mem>>)
    %dma_start3A_606 = arith.constant 2 : i32
    %dma_start3A_607 = arith.constant 0 : i32
    %dma_start3A_608 = tpu.memref_slice %arg3[%dma_start3A_606, %add3A_586, %dma_start3A_607] : memref<4x8192x1024xf32, #tpu.memory_space<hbm>> -> memref<1x32x1024xf32, #tpu.memory_space<hbm>>
    %dma_start3A_609 = tpu.memref_squeeze %dma_start3A_608 : memref<1x32x1024xf32, #tpu.memory_space<hbm>> -> memref<32x1024xf32, #tpu.memory_space<hbm>>
    %dma_start3A_610 = arith.constant 0 : i32
    %dma_start3A_611 = tpu.memref_slice %arg3[%dma_start3A_606, %add3A_586, %dma_start3A_610] : memref<4x8192x1024xf32, #tpu.memory_space<hbm>> -> memref<1x32x1024xf32, #tpu.memory_space<hbm>>
    %dma_start3A_612 = tpu.memref_squeeze %dma_start3A_611 : memref<1x32x1024xf32, #tpu.memory_space<hbm>> -> memref<32x1024xf32, #tpu.memory_space<hbm>>
    tpu.enqueue_dma source(%arg5 : memref<32x1024xf32, #tpu.memory_space<vmem>>) target(%dma_start3A_612 : memref<32x1024xf32, #tpu.memory_space<hbm>>) target_semaphore(%arg12 : memref<!tpu.dma_semaphore, #tpu.memory_space<semaphore_mem>>)
    %dma_start3A_613 = arith.constant 3 : i32
    %dma_start3A_614 = arith.constant 0 : i32
    %dma_start3A_615 = tpu.memref_slice %arg3[%dma_start3A_613, %add3A_586, %dma_start3A_614] : memref<4x8192x1024xf32, #tpu.memory_space<hbm>> -> memref<1x32x1024xf32, #tpu.memory_space<hbm>>
    %dma_start3A_616 = tpu.memref_squeeze %dma_start3A_615 : memref<1x32x1024xf32, #tpu.memory_space<hbm>> -> memref<32x1024xf32, #tpu.memory_space<hbm>>
    %dma_start3A_617 = arith.constant 0 : i32
    %dma_start3A_618 = tpu.memref_slice %arg3[%dma_start3A_613, %add3A_586, %dma_start3A_617] : memref<4x8192x1024xf32, #tpu.memory_space<hbm>> -> memref<1x32x1024xf32, #tpu.memory_space<hbm>>
    %dma_start3A_619 = tpu.memref_squeeze %dma_start3A_618 : memref<1x32x1024xf32, #tpu.memory_space<hbm>> -> memref<32x1024xf32, #tpu.memory_space<hbm>>
    tpu.enqueue_dma source(%arg5 : memref<32x1024xf32, #tpu.memory_space<vmem>>) target(%dma_start3A_619 : memref<32x1024xf32, #tpu.memory_space<hbm>>) target_semaphore(%arg12 : memref<!tpu.dma_semaphore, #tpu.memory_space<semaphore_mem>>)
    %dma_wait3A_620 = arith.constant 0 : i32
    %dma_wait3A_621 = arith.constant 0 : i32
    %dma_wait3A_622 = tpu.memref_slice %arg3[%dma_wait3A_620, %add3A_551, %dma_wait3A_621] : memref<4x8192x1024xf32, #tpu.memory_space<hbm>> -> memref<1x32x1024xf32, #tpu.memory_space<hbm>>
    %dma_wait3A_623 = tpu.memref_squeeze %dma_wait3A_622 : memref<1x32x1024xf32, #tpu.memory_space<hbm>> -> memref<32x1024xf32, #tpu.memory_space<hbm>>
    %dma_wait3A_624 = arith.constant 0 : i32
    %dma_wait3A_625 = tpu.memref_slice %arg3[%dma_wait3A_620, %add3A_551, %dma_wait3A_624] : memref<4x8192x1024xf32, #tpu.memory_space<hbm>> -> memref<1x32x1024xf32, #tpu.memory_space<hbm>>
    %dma_wait3A_626 = tpu.memref_squeeze %dma_wait3A_625 : memref<1x32x1024xf32, #tpu.memory_space<hbm>> -> memref<32x1024xf32, #tpu.memory_space<hbm>>
    tpu.wait_dma2 semaphore(%arg11 : memref<!tpu.dma_semaphore, #tpu.memory_space<semaphore_mem>>) src(%arg4 : memref<32x1024xf32, #tpu.memory_space<vmem>>) dst(%dma_wait3A_626 : memref<32x1024xf32, #tpu.memory_space<hbm>>)
    %dma_wait3A_627 = arith.constant 1 : i32
    %dma_wait3A_628 = arith.constant 0 : i32
    %dma_wait3A_629 = tpu.memref_slice %arg3[%dma_wait3A_627, %add3A_551, %dma_wait3A_628] : memref<4x8192x1024xf32, #tpu.memory_space<hbm>> -> memref<1x32x1024xf32, #tpu.memory_space<hbm>>
    %dma_wait3A_630 = tpu.memref_squeeze %dma_wait3A_629 : memref<1x32x1024xf32, #tpu.memory_space<hbm>> -> memref<32x1024xf32, #tpu.memory_space<hbm>>
    %dma_wait3A_631 = arith.constant 0 : i32
    %dma_wait3A_632 = tpu.memref_slice %arg3[%dma_wait3A_627, %add3A_551, %dma_wait3A_631] : memref<4x8192x1024xf32, #tpu.memory_space<hbm>> -> memref<1x32x1024xf32, #tpu.memory_space<hbm>>
    %dma_wait3A_633 = tpu.memref_squeeze %dma_wait3A_632 : memref<1x32x1024xf32, #tpu.memory_space<hbm>> -> memref<32x1024xf32, #tpu.memory_space<hbm>>
    tpu.wait_dma2 semaphore(%arg11 : memref<!tpu.dma_semaphore, #tpu.memory_space<semaphore_mem>>) src(%arg4 : memref<32x1024xf32, #tpu.memory_space<vmem>>) dst(%dma_wait3A_633 : memref<32x1024xf32, #tpu.memory_space<hbm>>)
    %dma_wait3A_634 = arith.constant 2 : i32
    %dma_wait3A_635 = arith.constant 0 : i32
    %dma_wait3A_636 = tpu.memref_slice %arg3[%dma_wait3A_634, %add3A_551, %dma_wait3A_635] : memref<4x8192x1024xf32, #tpu.memory_space<hbm>> -> memref<1x32x1024xf32, #tpu.memory_space<hbm>>
    %dma_wait3A_637 = tpu.memref_squeeze %dma_wait3A_636 : memref<1x32x1024xf32, #tpu.memory_space<hbm>> -> memref<32x1024xf32, #tpu.memory_space<hbm>>
    %dma_wait3A_638 = arith.constant 0 : i32
    %dma_wait3A_639 = tpu.memref_slice %arg3[%dma_wait3A_634, %add3A_551, %dma_wait3A_638] : memref<4x8192x1024xf32, #tpu.memory_space<hbm>> -> memref<1x32x1024xf32, #tpu.memory_space<hbm>>
    %dma_wait3A_640 = tpu.memref_squeeze %dma_wait3A_639 : memref<1x32x1024xf32, #tpu.memory_space<hbm>> -> memref<32x1024xf32, #tpu.memory_space<hbm>>
    tpu.wait_dma2 semaphore(%arg11 : memref<!tpu.dma_semaphore, #tpu.memory_space<semaphore_mem>>) src(%arg4 : memref<32x1024xf32, #tpu.memory_space<vmem>>) dst(%dma_wait3A_640 : memref<32x1024xf32, #tpu.memory_space<hbm>>)
    %dma_wait3A_641 = arith.constant 3 : i32
    %dma_wait3A_642 = arith.constant 0 : i32
    %dma_wait3A_643 = tpu.memref_slice %arg3[%dma_wait3A_641, %add3A_551, %dma_wait3A_642] : memref<4x8192x1024xf32, #tpu.memory_space<hbm>> -> memref<1x32x1024xf32, #tpu.memory_space<hbm>>
    %dma_wait3A_644 = tpu.memref_squeeze %dma_wait3A_643 : memref<1x32x1024xf32, #tpu.memory_space<hbm>> -> memref<32x1024xf32, #tpu.memory_space<hbm>>
    %dma_wait3A_645 = arith.constant 0 : i32
    %dma_wait3A_646 = tpu.memref_slice %arg3[%dma_wait3A_641, %add3A_551, %dma_wait3A_645] : memref<4x8192x1024xf32, #tpu.memory_space<hbm>> -> memref<1x32x1024xf32, #tpu.memory_space<hbm>>
    %dma_wait3A_647 = tpu.memref_squeeze %dma_wait3A_646 : memref<1x32x1024xf32, #tpu.memory_space<hbm>> -> memref<32x1024xf32, #tpu.memory_space<hbm>>
    tpu.wait_dma2 semaphore(%arg11 : memref<!tpu.dma_semaphore, #tpu.memory_space<semaphore_mem>>) src(%arg4 : memref<32x1024xf32, #tpu.memory_space<vmem>>) dst(%dma_wait3A_647 : memref<32x1024xf32, #tpu.memory_space<hbm>>)
    %dma_wait3A_648 = arith.constant 0 : i32
    %dma_wait3A_649 = arith.constant 0 : i32
    %dma_wait3A_650 = tpu.memref_slice %arg3[%dma_wait3A_648, %add3A_586, %dma_wait3A_649] : memref<4x8192x1024xf32, #tpu.memory_space<hbm>> -> memref<1x32x1024xf32, #tpu.memory_space<hbm>>
    %dma_wait3A_651 = tpu.memref_squeeze %dma_wait3A_650 : memref<1x32x1024xf32, #tpu.memory_space<hbm>> -> memref<32x1024xf32, #tpu.memory_space<hbm>>
    %dma_wait3A_652 = arith.constant 0 : i32
    %dma_wait3A_653 = tpu.memref_slice %arg3[%dma_wait3A_648, %add3A_586, %dma_wait3A_652] : memref<4x8192x1024xf32, #tpu.memory_space<hbm>> -> memref<1x32x1024xf32, #tpu.memory_space<hbm>>
    %dma_wait3A_654 = tpu.memref_squeeze %dma_wait3A_653 : memref<1x32x1024xf32, #tpu.memory_space<hbm>> -> memref<32x1024xf32, #tpu.memory_space<hbm>>
    tpu.wait_dma2 semaphore(%arg12 : memref<!tpu.dma_semaphore, #tpu.memory_space<semaphore_mem>>) src(%arg5 : memref<32x1024xf32, #tpu.memory_space<vmem>>) dst(%dma_wait3A_654 : memref<32x1024xf32, #tpu.memory_space<hbm>>)
    %dma_wait3A_655 = arith.constant 1 : i32
    %dma_wait3A_656 = arith.constant 0 : i32
    %dma_wait3A_657 = tpu.memref_slice %arg3[%dma_wait3A_655, %add3A_586, %dma_wait3A_656] : memref<4x8192x1024xf32, #tpu.memory_space<hbm>> -> memref<1x32x1024xf32, #tpu.memory_space<hbm>>
    %dma_wait3A_658 = tpu.memref_squeeze %dma_wait3A_657 : memref<1x32x1024xf32, #tpu.memory_space<hbm>> -> memref<32x1024xf32, #tpu.memory_space<hbm>>
    %dma_wait3A_659 = arith.constant 0 : i32
    %dma_wait3A_660 = tpu.memref_slice %arg3[%dma_wait3A_655, %add3A_586, %dma_wait3A_659] : memref<4x8192x1024xf32, #tpu.memory_space<hbm>> -> memref<1x32x1024xf32, #tpu.memory_space<hbm>>
    %dma_wait3A_661 = tpu.memref_squeeze %dma_wait3A_660 : memref<1x32x1024xf32, #tpu.memory_space<hbm>> -> memref<32x1024xf32, #tpu.memory_space<hbm>>
    tpu.wait_dma2 semaphore(%arg12 : memref<!tpu.dma_semaphore, #tpu.memory_space<semaphore_mem>>) src(%arg5 : memref<32x1024xf32, #tpu.memory_space<vmem>>) dst(%dma_wait3A_661 : memref<32x1024xf32, #tpu.memory_space<hbm>>)
    %dma_wait3A_662 = arith.constant 2 : i32
    %dma_wait3A_663 = arith.constant 0 : i32
    %dma_wait3A_664 = tpu.memref_slice %arg3[%dma_wait3A_662, %add3A_586, %dma_wait3A_663] : memref<4x8192x1024xf32, #tpu.memory_space<hbm>> -> memref<1x32x1024xf32, #tpu.memory_space<hbm>>
    %dma_wait3A_665 = tpu.memref_squeeze %dma_wait3A_664 : memref<1x32x1024xf32, #tpu.memory_space<hbm>> -> memref<32x1024xf32, #tpu.memory_space<hbm>>
    %dma_wait3A_666 = arith.constant 0 : i32
    %dma_wait3A_667 = tpu.memref_slice %arg3[%dma_wait3A_662, %add3A_586, %dma_wait3A_666] : memref<4x8192x1024xf32, #tpu.memory_space<hbm>> -> memref<1x32x1024xf32, #tpu.memory_space<hbm>>
    %dma_wait3A_668 = tpu.memref_squeeze %dma_wait3A_667 : memref<1x32x1024xf32, #tpu.memory_space<hbm>> -> memref<32x1024xf32, #tpu.memory_space<hbm>>
    tpu.wait_dma2 semaphore(%arg12 : memref<!tpu.dma_semaphore, #tpu.memory_space<semaphore_mem>>) src(%arg5 : memref<32x1024xf32, #tpu.memory_space<vmem>>) dst(%dma_wait3A_668 : memref<32x1024xf32, #tpu.memory_space<hbm>>)
    %dma_wait3A_669 = arith.constant 3 : i32
    %dma_wait3A_670 = arith.constant 0 : i32
    %dma_wait3A_671 = tpu.memref_slice %arg3[%dma_wait3A_669, %add3A_586, %dma_wait3A_670] : memref<4x8192x1024xf32, #tpu.memory_space<hbm>> -> memref<1x32x1024xf32, #tpu.memory_space<hbm>>
    %dma_wait3A_672 = tpu.memref_squeeze %dma_wait3A_671 : memref<1x32x1024xf32, #tpu.memory_space<hbm>> -> memref<32x1024xf32, #tpu.memory_space<hbm>>
    %dma_wait3A_673 = arith.constant 0 : i32
    %dma_wait3A_674 = tpu.memref_slice %arg3[%dma_wait3A_669, %add3A_586, %dma_wait3A_673] : memref<4x8192x1024xf32, #tpu.memory_space<hbm>> -> memref<1x32x1024xf32, #tpu.memory_space<hbm>>
    %dma_wait3A_675 = tpu.memref_squeeze %dma_wait3A_674 : memref<1x32x1024xf32, #tpu.memory_space<hbm>> -> memref<32x1024xf32, #tpu.memory_space<hbm>>
    tpu.wait_dma2 semaphore(%arg12 : memref<!tpu.dma_semaphore, #tpu.memory_space<semaphore_mem>>) src(%arg5 : memref<32x1024xf32, #tpu.memory_space<vmem>>) dst(%dma_wait3A_675 : memref<32x1024xf32, #tpu.memory_space<hbm>>)
    %dma_wait3A_676 = arith.constant 0 : i32
    %dma_wait3A_677 = arith.constant 0 : i32
    %dma_wait3A_678 = tpu.memref_slice %arg3[%dma_wait3A_676, %add3A_483, %dma_wait3A_677] : memref<4x8192x1024xf32, #tpu.memory_space<hbm>> -> memref<1x32x1024xf32, #tpu.memory_space<hbm>>
    %dma_wait3A_679 = tpu.memref_squeeze %dma_wait3A_678 : memref<1x32x1024xf32, #tpu.memory_space<hbm>> -> memref<32x1024xf32, #tpu.memory_space<hbm>>
    %dma_wait3A_680 = arith.constant 0 : i32
    %dma_wait3A_681 = tpu.memref_slice %arg3[%dma_wait3A_676, %add3A_483, %dma_wait3A_680] : memref<4x8192x1024xf32, #tpu.memory_space<hbm>> -> memref<1x32x1024xf32, #tpu.memory_space<hbm>>
    %dma_wait3A_682 = tpu.memref_squeeze %dma_wait3A_681 : memref<1x32x1024xf32, #tpu.memory_space<hbm>> -> memref<32x1024xf32, #tpu.memory_space<hbm>>
    tpu.wait_dma2 semaphore(%arg13 : memref<!tpu.dma_semaphore, #tpu.memory_space<semaphore_mem>>) src(%arg6 : memref<32x1024xf32, #tpu.memory_space<vmem>>) dst(%dma_wait3A_682 : memref<32x1024xf32, #tpu.memory_space<hbm>>)
    %dma_wait3A_683 = arith.constant 1 : i32
    %dma_wait3A_684 = arith.constant 0 : i32
    %dma_wait3A_685 = tpu.memref_slice %arg3[%dma_wait3A_683, %add3A_483, %dma_wait3A_684] : memref<4x8192x1024xf32, #tpu.memory_space<hbm>> -> memref<1x32x1024xf32, #tpu.memory_space<hbm>>
    %dma_wait3A_686 = tpu.memref_squeeze %dma_wait3A_685 : memref<1x32x1024xf32, #tpu.memory_space<hbm>> -> memref<32x1024xf32, #tpu.memory_space<hbm>>
    %dma_wait3A_687 = arith.constant 0 : i32
    %dma_wait3A_688 = tpu.memref_slice %arg3[%dma_wait3A_683, %add3A_483, %dma_wait3A_687] : memref<4x8192x1024xf32, #tpu.memory_space<hbm>> -> memref<1x32x1024xf32, #tpu.memory_space<hbm>>
    %dma_wait3A_689 = tpu.memref_squeeze %dma_wait3A_688 : memref<1x32x1024xf32, #tpu.memory_space<hbm>> -> memref<32x1024xf32, #tpu.memory_space<hbm>>
    tpu.wait_dma2 semaphore(%arg13 : memref<!tpu.dma_semaphore, #tpu.memory_space<semaphore_mem>>) src(%arg6 : memref<32x1024xf32, #tpu.memory_space<vmem>>) dst(%dma_wait3A_689 : memref<32x1024xf32, #tpu.memory_space<hbm>>)
    %dma_wait3A_690 = arith.constant 2 : i32
    %dma_wait3A_691 = arith.constant 0 : i32
    %dma_wait3A_692 = tpu.memref_slice %arg3[%dma_wait3A_690, %add3A_483, %dma_wait3A_691] : memref<4x8192x1024xf32, #tpu.memory_space<hbm>> -> memref<1x32x1024xf32, #tpu.memory_space<hbm>>
    %dma_wait3A_693 = tpu.memref_squeeze %dma_wait3A_692 : memref<1x32x1024xf32, #tpu.memory_space<hbm>> -> memref<32x1024xf32, #tpu.memory_space<hbm>>
    %dma_wait3A_694 = arith.constant 0 : i32
    %dma_wait3A_695 = tpu.memref_slice %arg3[%dma_wait3A_690, %add3A_483, %dma_wait3A_694] : memref<4x8192x1024xf32, #tpu.memory_space<hbm>> -> memref<1x32x1024xf32, #tpu.memory_space<hbm>>
    %dma_wait3A_696 = tpu.memref_squeeze %dma_wait3A_695 : memref<1x32x1024xf32, #tpu.memory_space<hbm>> -> memref<32x1024xf32, #tpu.memory_space<hbm>>
    tpu.wait_dma2 semaphore(%arg13 : memref<!tpu.dma_semaphore, #tpu.memory_space<semaphore_mem>>) src(%arg6 : memref<32x1024xf32, #tpu.memory_space<vmem>>) dst(%dma_wait3A_696 : memref<32x1024xf32, #tpu.memory_space<hbm>>)
    %dma_wait3A_697 = arith.constant 3 : i32
    %dma_wait3A_698 = arith.constant 0 : i32
    %dma_wait3A_699 = tpu.memref_slice %arg3[%dma_wait3A_697, %add3A_483, %dma_wait3A_698] : memref<4x8192x1024xf32, #tpu.memory_space<hbm>> -> memref<1x32x1024xf32, #tpu.memory_space<hbm>>
    %dma_wait3A_700 = tpu.memref_squeeze %dma_wait3A_699 : memref<1x32x1024xf32, #tpu.memory_space<hbm>> -> memref<32x1024xf32, #tpu.memory_space<hbm>>
    %dma_wait3A_701 = arith.constant 0 : i32
    %dma_wait3A_702 = tpu.memref_slice %arg3[%dma_wait3A_697, %add3A_483, %dma_wait3A_701] : memref<4x8192x1024xf32, #tpu.memory_space<hbm>> -> memref<1x32x1024xf32, #tpu.memory_space<hbm>>
    %dma_wait3A_703 = tpu.memref_squeeze %dma_wait3A_702 : memref<1x32x1024xf32, #tpu.memory_space<hbm>> -> memref<32x1024xf32, #tpu.memory_space<hbm>>
    tpu.wait_dma2 semaphore(%arg13 : memref<!tpu.dma_semaphore, #tpu.memory_space<semaphore_mem>>) src(%arg6 : memref<32x1024xf32, #tpu.memory_space<vmem>>) dst(%dma_wait3A_703 : memref<32x1024xf32, #tpu.memory_space<hbm>>)
    return
  }
}

</mosaic_0001>

<sc_bundles>
// kernel: kernel.3.cloned.1.call-start
scs
__scs_entry_jumppad:
0x0: {  	(pc) =	sbr.rel $0x88, $3  }
0x1: {  	(tag) =	ssettag $0x0;
	lr =	simm.s32 $0x1  }
0x2: {  	[smem:$0x3FA0] =	sst lr;
	_ =	strace $0xD0000000  }
0x3: {  	_ = 	snop  }
0x4: {  	_ = 	snop  }
0x5: {  	_ = 	snop  }
0x6: {  	_ = 	snop  }
0x7: {  	_ = 	snop  }
__scs_overlays_trampoline_lowered:
0x8: {  	[smem:$0x3FAF] =	sst s0  }
0x9: {  	[smem:$0x3FB0] =	sst s1  }
0xa: {  	[smem:$0x3FB1] =	sst s2  }
0xb: {  	[smem:$0x3FB2] =	sst s3  }
0xc: {  	[smem:$0x3FB3] =	sst s4  }
0xd: {  	[smem:$0x3FB4] =	sst s5  }
0xe: {  	[smem:$0x3FB5] =	sst s6  }
0xf: {  	[smem:$0x3FB6] =	sst s7  }
0x10: {  	[smem:$0x3FB7] =	sst s8  }
0x11: {  	[smem:$0x3FB8] =	sst s9;
	s0 =	simm.s32 @!p0 $0x0  }
0x12: {  	s1 =	sld [smem:$0x3F9E];
	s0 =	simm.s32 @p0 $0x1  }
0x13: {  	[smem:$0x3FB9] =	sst s0;
	s0 =	simm.s32 @!p1 $0x0  }
0x14: {  	s2 =	sld [smem:$0x3F9D];
	s0 =	simm.s32 @p1 $0x1  }
0x15: {  	[smem:$0x3FBA] =	sst s0;
	s0 =	simm.s32 @!p2 $0x0  }
0x16: {  	s3 =	sld [smem:$0x3FDB];
	s0 =	simm.s32 @p2 $0x1  }
0x17: {  	s4 =	simm.s32 $0x1BF5;
	[smem:$0x3FBC] =	sst s0  }
0x18: {  	s0 =	sld [smem:$0x3F9F];
	_ =	swait.ge [sflag:s4], $0x0  }
0x19: {  	s7 =	sld [smem:$0x3FA0]  }
0x1a: {  	s8 =	sadd.s32 $0xFFFFE003, lr  }
0x1b: {  	s9 =	sadd.s32 $0xFFFFFEF7, lr;
	s5 =	simm.s32 $0xFFFFFFFF;
	p2 =	slt.u32 s8, $0xFFFFF086  }
0x1c: {  	p1 =	slt.u32 s9, $0xF7A;
	s5 =	simm.s32 @!p2 $0x0  }
0x1d: {  	s5 =	simm.s32 @p1 $0x1;
	p0 =	seq.s32 s7, s2  }
0x1e: {  	s7 =	smul.u32 @!p0 $0xF7A, s2;
	p2 =	seq.s32 @!p0 s5, $0x0  }
0x1f: {  	s9 =	smul.u32 $0xF7A, s1;
	s8 =	simm.s32 @!p0 $0x1BF5;
	p2 =	por !p2, p0  }
0x20: {  	[sflag:s8] =	ssyncset.s32 @!p0 $0xFFFFF086;
	s6 =	sadd.s32 @!p0 s3, s7;
	s7 =	simm.s32 @!p0 $0x108  }
0x21: {  	s3 =	sadd.s32 s3, s9;
	s6 =	sadd.s32 @!p0 $0x88, s6;
	s7 =	simm.s32 @p2 $0x1082  }
0x22: {  	[simem:s7], [sflag:s8] =	dma.local @!p0 [hbm:s6], $0xF7A  }
0x23: {  	s9 =	sor.u32 $0xD0000000, s2;
	s6 =	simm.s32 $0x108;
	_ =	swait.ge @!p0 [sflag:s8], $0x0  }
0x24: {  	s3 =	sadd.s32 $0x88, s3;
	s6 =	simm.s32 @!p1 $0x1082;
	[sflag:s4] =	ssyncset.s32 $0xFFFFF086  }
0x25: {  	[simem:s6], [sflag:s4] =	dma.local [hbm:s3], $0xF7A  }
0x26: {  	[smem:$0x3FA0] =	sst s1;
	(tag) =	ssettag s2;
	_ =	strace s9  }
0x27: {  	s1 =	sld [smem:$0x3FB0]  }
0x28: {  	s2 =	sld [smem:$0x3FB1]  }
0x29: {  	s4 =	sld [smem:$0x3FB3]  }
0x2a: {  	p0 =	seq.s32 s5, $0x0;
	s5 =	sld [smem:$0x3FB4]  }
0x2b: {  	s6 =	sld [smem:$0x3FB5]  }
0x2c: {  	s7 =	sld [smem:$0x3FB6]  }
0x2d: {  	s3 =	simm.s32 $0x108;
	s8 =	sld [smem:$0x3FB7]  }
0x2e: {  	s3 =	simm.s32 @!p0 $0x1082;
	s9 =	sld [smem:$0x3FB8]  }
0x2f: {  	lr =	sadd.s32 s0, s3;
	s0 =	sld [smem:$0x3FAF]  }
0x30: {  	s3 =	sld [smem:$0x3FB2]  }
0x31: {  	[smem:$0x3FBB] =	sst s10  }
0x32: {  	s10 =	sld [smem:$0x3FB9];
	_ =	sdelay $0x3  }
0x33: {  	p0 =	seq.s32 s10, $0x1;
	s10 =	sld [smem:$0x3FBB];
	_ =	sdelay $0x3  }
0x34: {  	[smem:$0x3FBB] =	sst s10  }
0x35: {  	s10 =	sld [smem:$0x3FBA];
	_ =	sdelay $0x3  }
0x36: {  	p1 =	seq.s32 s10, $0x1;
	s10 =	sld [smem:$0x3FBB];
	_ =	sdelay $0x3  }
0x37: {  	[smem:$0x3FBB] =	sst s10  }
0x38: {  	s10 =	sld [smem:$0x3FBC]  }
0x39: {  	_ = 	snop;
	(pc) =	sbr.ind lr, $3  }
0x3a: {  	_ = 	snop  }
0x3b: {  	_ = 	snop  }
0x3c: {  	p2 =	seq.s32 s10, $0x1;
	s10 =	sld [smem:$0x3FBB]  }
0x3d: {  	_ =	shalt  }
0x3e: {  	_ =	shalt  }
0x3f: {  	_ =	shalt  }
0x40: {  	_ =	shalt  }
0x41: {  	_ =	shalt  }
0x42: {  	_ =	shalt  }
0x43: {  	_ =	shalt  }
0x44: {  	_ =	shalt  }
0x45: {  	_ =	shalt  }
0x46: {  	_ =	shalt  }
0x47: {  	_ =	shalt  }
0x48: {  	_ =	shalt  }
0x49: {  	_ =	shalt  }
0x4a: {  	_ =	shalt  }
0x4b: {  	_ =	shalt  }
0x4c: {  	_ =	shalt  }
0x4d: {  	_ =	shalt  }
0x4e: {  	_ =	shalt  }
0x4f: {  	_ =	shalt  }
0x50: {  	_ =	shalt  }
0x51: {  	_ =	shalt  }
0x52: {  	_ =	shalt  }
0x53: {  	_ =	shalt  }
0x54: {  	_ =	shalt  }
0x55: {  	_ =	shalt  }
0x56: {  	_ =	shalt  }
0x57: {  	_ =	shalt  }
0x58: {  	_ =	shalt  }
0x59: {  	_ =	shalt  }
0x5a: {  	_ =	shalt  }
0x5b: {  	_ =	shalt  }
0x5c: {  	_ =	shalt  }
0x5d: {  	_ =	shalt  }
0x5e: {  	_ =	shalt  }
0x5f: {  	_ =	shalt  }
0x60: {  	_ =	shalt  }
0x61: {  	_ =	shalt  }
0x62: {  	_ =	shalt  }
0x63: {  	_ =	shalt  }
0x64: {  	_ =	shalt  }
0x65: {  	_ =	shalt  }
0x66: {  	_ =	shalt  }
0x67: {  	_ =	shalt  }
0x68: {  	_ =	shalt  }
0x69: {  	_ =	shalt  }
0x6a: {  	_ =	shalt  }
0x6b: {  	_ =	shalt  }
0x6c: {  	_ =	shalt  }
0x6d: {  	_ =	shalt  }
0x6e: {  	_ =	shalt  }
0x6f: {  	_ =	shalt  }
0x70: {  	_ =	shalt  }
0x71: {  	_ =	shalt  }
0x72: {  	_ =	shalt  }
0x73: {  	_ =	shalt  }
0x74: {  	_ =	shalt  }
0x75: {  	_ =	shalt  }
0x76: {  	_ =	shalt  }
0x77: {  	_ =	shalt  }
0x78: {  	_ =	shalt  }
0x79: {  	_ =	shalt  }
0x7a: {  	_ =	shalt  }
0x7b: {  	_ =	shalt  }
0x7c: {  	_ =	shalt  }
0x7d: {  	_ =	shalt  }
0x7e: {  	_ =	shalt  }
0x7f: {  	_ =	shalt  }
0x80: {  	_ =	shalt  }
0x81: {  	_ =	shalt  }
0x82: {  	_ =	shalt  }
0x83: {  	_ =	shalt  }
0x84: {  	_ =	shalt  }
0x85: {  	_ =	shalt  }
0x86: {  	_ =	shalt  }
0x87: {  	_ =	shalt  }
.Lfunc_end0:
.L_simem_size_0:
called_computation_lowered:
.L_overlay_start_0:
0x88: {  	s2 =	sld [smem:$0x3FD9]  }
0x89: {  	s3 =	sld [smem:$0x3FFE];
	_ =	sdelay $0x1  }
0x8a: {  	s1 =	srdreg.scid  }
0x8b: {  	s0 =	sand.u32 $0x1, s1  }
0x8c: {  	s18 =	sshll.u32 s0, $0xA;
	s2 =	sadd.s32 s3, s2  }
0x8d: {  	s2 =	sadd.s32 s2, s18  }
0x8e: {  	[smem:$0x3FC7] =	sst s2  }
0x8f: {  	_ = 	snop  }
0x90: {  	s2 =	sld [smem:$0x3FC9]  }
0x91: {  	s19 =	sld [smem:$0x3FD0];
	(tm) =	ssettm $0x1  }
0x92: {  	s4 =	sld [smem:$0x3FFB];
	_ =	sdelay $0x3  }
0x93: {  	_ =	strace s4  }
0x94: {  	s4 =	sld [smem:$0x3FFC];
	_ =	sdelay $0x3  }
0x95: {  	_ =	strace s4  }
0x96: {  	s4 =	sld [smem:$0x3FFD];
	_ =	sdelay $0x3  }
0x97: {  	_ =	strace s4  }
0x98: {  	_ =	strace $0x8FFFFFFF  }
0x99: {  	s20 =	sld [smem:$0x3FDB];
	_ =	sdelay $0x1  }
0x9a: {  	s5 =	simm.s32 $_scs_section_size  }
0x9b: {  	s6 =	simm.s32 $_size__tile_overlayer_lowered;
	s7 =	simm.s32 $_tile_overlayer_lowered  }
0x9c: {  	s23 =	simm.s32 $0x1BFF;
	s22 =	sshll.u32 s7, $0x1;
	s4 =	sadd.s32 s5, s20  }
0x9d: {  	s8 =	simm.s32 $0x0;
	s21 =	sshll.u32 s6, $0x1;
	s6 =	sadd.s32 s22, s4  }
0x9e: {  	[timem:s8], [sflag:s23] =	dma.local [hbm:s6], s21  }
0x9f: {  	_ =	swait.ge [sflag:s23], s21  }
0xa0: {  	s5 =	ssub.s32 $0x0, s21;
	[sflag:s23] =	ssyncset.done $0x0  }
0xa1: {  	[sflag:s23] =	ssyncadd.s32 s5;
	_ =	sdelay $0x1  }
0xa2: {  	s24 =	simm.s32 $0x1B8B  }
0xa3: {  	_ =	swait.ge [sflag:s24], $0x1  }
0xa4: {  	[sflag:s24] =	ssyncset.done $0x0  }
0xa5: {  	s25 =	simm.s32 $0x1B8E;
	[sflag:s24] =	ssyncadd.s32 $0xFFFFFFFF  }
0xa6: {  	s26 =	simm.s32 $execute0_lowered;
	[smem:$0x3FD2] =	sst s25  }
0xa7: {  	s5 =	sshll.u32 s26, $0x1;
	_ =	strace $0x80000046;
	[dreg:$0x1] =	wrdreg $0xFFFFFFFF  }
0xa8: {  	s28 =	simm.s32 $_size_execute0_lowered;
	s4 =	sadd.s32 s4, s5;
	[dreg:$0x0] =	wrdreg $0x0  }
0xa9: {  	s5 =	sshll.u32 s28, $0x1;
	[dreg:$0x2] =	wrdreg s4  }
0xaa: {  	[dreg:$0x3] =	wrdreg s5  }
0xab: {  	[dreg:$0x4] =	wrdreg $0xC0  }
0xac: {  	_ =	task [dreg:s8], $0x5FFFF  }
0xad: {  	[dreg:$0x1] =	wrdreg $0xFFFFFFFF  }
0xae: {  	[dreg:$0x0] =	wrdreg $0x60  }
0xaf: {  	[dreg:$0x2] =	wrdreg s2  }
0xb0: {  	[dreg:$0x3] =	wrdreg s19  }
0xb1: {  	[dreg:$0x4] =	wrdreg $0x9  }
0xb2: {  	_ =	task.clear_ibuf [dreg:s8], $0x5FFFF;
	_ =	strace $0x90000046  }
0xb3: {  	s29 =	simm.s32 $0x9;
	_ =	strace $0x80000048  }
0xb4: {  	_ =	swait.ge [sflag:s29], $0x1  }
0xb5: {  	[sflag:s29] =	ssyncadd.s32 $0xFFFFFFFF  }
0xb6: {  	_ =	strace $0x90000048  }
0xb7: {  	_ =	sfence  }
0xb8: {  	s30 =	sld [smem:$0x0];
	_ =	sdelay $0x2  }
0xb9: {  	s31 =	sshll.u32 s1, $0xD;
	s1 =	sshrl.u32 s1, $0x2  }
0xba: {  	s3 =	sand.u32 $0x4000, s31;
	s1 =	sadd.s32 s1, s30  }
0xbb: {  	s0 =	sor.u32 s3, s0;
	s1 =	sshll.u32 s1, $0x11  }
0xbc: {  	s0 =	sor.u32 s1, s0  }
0xbd: {  	s0 =	sadd.s32 $0x8F2B, s0  }
0xbe: {  	[sflag:s0] =	ssyncadd.remote.s32 $0x1  }
0xbf: {  	_ =	sfence.sel $0xFFFF  }
0xc0: {  	[dreg:$0x0] =	wrdreg $0xFFFFFFFF;
	(pc) =	sbr.abs _section_cstart, $3  }
0xc1: {  	[dreg:$0x1] =	wrdreg $0xFFFFFFFF  }
0xc2: {  	_ =	task.clear_ibuf [dreg:s8], $0x2FFFF;
	_ =	strace $0x9FFFFFFF  }
0xc3: {  	(tm) =	ssettm $0x7FFFFFFF  }
tec
execute0_lowered:
.L_overlay_start_1:
0x0: {  	(tag) =	ssettag $0x1  }
0x1: {  	s0 =	srdreg.scid  }
0x2: {  	s3 =	stileid.u32;
	s1 =	sand.u32 $0x1, s0  }
0x3: {  	s25 =	sshll.u32 s3, $0x9;
	s26 =	sshll.u32 s1, $0x8  }
0x4: {  	s2 =	rddreg [dreg:$0x0];
	s0 =	sor.u32 s26, s25  }
0x5: {  	s4 =	rddreg [dreg:$0x1];
	s3 =	simm.s32 $0x0;
	s5 =	sshll.u32 s0, $0x7  }
0x6: {  	[smem:$0x7FF] =	sst s3;
	s4 =	sadd.s32 s4, s5  }
0x7: {  	_ =	strace $0x80000047;
	s5 =	sadd.s32 $0x100000, s4;
	[smem:$0x7FC] =	sst s4  }
0x8: {  	s31 =	sadd.s32 $0x200000, s4;
	[dreg:$0x3] =	wrdreg s5  }
0x9: {  	s6 =	sadd.s32 $0x300000, s4;
	[dreg:$0x4] =	wrdreg s31  }
0xa: {  	s7 =	sadd.s32 $0x1000, s4;
	[dreg:$0x5] =	wrdreg s6  }
0xb: {  	s8 =	sadd.s32 $0x101000, s4;
	[dreg:$0x6] =	wrdreg s7  }
0xc: {  	s9 =	sadd.s32 $0x201000, s4;
	[dreg:$0x7] =	wrdreg s8  }
0xd: {  	s10 =	sadd.s32 $0x301000, s4;
	[dreg:$0x8] =	wrdreg s9  }
0xe: {  	s11 =	sadd.s32 $0x2000, s4;
	[dreg:$0x9] =	wrdreg s10  }
0xf: {  	s12 =	sadd.s32 $0x102000, s4;
	[dreg:$0xa] =	wrdreg s11  }
0x10: {  	s13 =	sadd.s32 $0x202000, s4;
	[dreg:$0xb] =	wrdreg s12  }
0x11: {  	s28 =	simm.s32 $0x16800;
	s14 =	sadd.s32 $0x302000, s4;
	[dreg:$0xc] =	wrdreg s13  }
0x12: {  	s29 =	simm.s32 $0x17000;
	s15 =	sadd.s32 $0x3000, s4;
	[dreg:$0xd] =	wrdreg s14  }
0x13: {  	s30 =	simm.s32 $0x17800;
	s16 =	sadd.s32 $0x103000, s4;
	[dreg:$0xe] =	wrdreg s15  }
0x14: {  	s1 =	ssub.s32 $0x2, s1;
	s17 =	sadd.s32 $0x203000, s4;
	[dreg:$0xf] =	wrdreg s16  }
0x15: {  	s18 =	sadd.s32 $0x303000, s4;
	s19 =	sadd.s32 $0x4000, s4;
	[dreg:$0x10] =	wrdreg s17  }
0x16: {  	s20 =	sadd.s32 $0x104000, s4;
	s21 =	sadd.s32 $0x204000, s4;
	[dreg:$0x11] =	wrdreg s18  }
0x17: {  	s22 =	sadd.s32 $0x304000, s4;
	s23 =	sadd.s32 $0x5000, s4;
	[dreg:$0x12] =	wrdreg s19  }
0x18: {  	s24 =	sadd.s32 $0x105000, s4;
	s25 =	sadd.s32 $0x205000, s4;
	[dreg:$0x13] =	wrdreg s20  }
0x19: {  	s26 =	sadd.s32 $0x305000, s4;
	s6 =	sshrl.u32 s1, $0x1;
	[dreg:$0x14] =	wrdreg s21  }
0x1a: {  	s9 =	sor.u32 $0x1, s0;
	s10 =	sor.u32 $0x11, s0;
	[dreg:$0x15] =	wrdreg s22  }
0x1b: {  	s11 =	sor.u32 $0x21, s0;
	s12 =	sor.u32 $0x31, s0;
	[dreg:$0x16] =	wrdreg s23  }
0x1c: {  	s13 =	sor.u32 $0x41, s0;
	s14 =	sor.u32 $0x51, s0;
	[dreg:$0x17] =	wrdreg s24  }
0x1d: {  	s15 =	sor.u32 $0x61, s0;
	s16 =	sor.u32 $0x71, s0;
	[dreg:$0x18] =	wrdreg s25  }
0x1e: {  	s22 =	sor.u32 $0x81, s0;
	s17 =	sor.u32 $0x91, s0;
	[dreg:$0x19] =	wrdreg s26  }
0x1f: {  	s31 =	sadd.s32 $0x6000, s4;
	s18 =	sor.u32 $0xA1, s0;
	s20 =	sor.u32 $0xB1, s0  }
0x20: {  	s7 =	sadd.s32 $0x206000, s4;
	s21 =	sor.u32 $0xC1, s0;
	[dreg:$0x1a] =	wrdreg s31  }
0x21: {  	s8 =	sadd.s32 $0x306000, s4;
	s23 =	sor.u32 $0xD1, s0;
	[dreg:$0x1c] =	wrdreg s7  }
0x22: {  	s19 =	sadd.s32 $0x7000, s4;
	s25 =	sor.u32 $0xE1, s0;
	[dreg:$0x1d] =	wrdreg s8  }
0x23: {  	v18 =	vlaneseq.u32;
	s24 =	sadd.s32 $0x107000, s4;
	s26 =	sadd.s32 $0x207000, s4;
	[dreg:$0x1e] =	wrdreg s19  }
0x24: {  	vm0 =	vmmov $0xffff;
	v15 =	vshrl.u32 v18, $0x3;
	s5 =	sadd.s32 $0x100, s2;
	s1 =	ssub.s32 s1, s6;
	[dreg:$0x1f] =	wrdreg s24  }
0x25: {  	v15 =	vmul.u32 $0x8, v15;
	s6 =	sadd.s32 $0x106000, s4;
	s19 =	sor.u32 $0xF1, s0;
	[smem:$0x7FB] =	sst s26;
	v0 =	vadd.s32 s9, v18;
	v1 =	vadd.s32 s10, v18  }
0x26: {  	s31 =	sadd.s32 $0x307000, s4;
	s7 =	sadd.s32 $0x300, s2;
	s24 =	simm.s32 $0x8000;
	v2 =	vadd.s32 s11, v18;
	v3 =	vadd.s32 s12, v18;
	v4 =	vadd.s32 s13, v18  }
0x27: {  	v7 =	vadd.s32 s16, v18;
	s16 =	simm.s32 $0x10000;
	v9 =	vadd.s32 s17, v18;
	v10 =	vadd.s32 s18, v18;
	s17 =	simm.s32 $0x1;
	s18 =	simm.s32 $0x2  }
0x28: {  	v8 =	vadd.s32 s22, v18;
	v12 =	vadd.s32 s21, v18;
	s21 =	simm.s32 $0x5;
	s22 =	simm.s32 $0x6;
	s4 =	simm.s32 $0x11800;
	v11 =	vshll.u32 v0, $0x3  }
0x29: {  	v5 =	vadd.s32 s14, v18;
	s9 =	simm.s32 $0x12000;
	s10 =	simm.s32 $0x12800;
	s11 =	simm.s32 $0x13000;
	v13 =	vand.u32 $0x7, v0;
	v14 =	vand.u32 $0x7FFFFFC0, v11  }
0x2a: {  	s12 =	simm.s32 $0x13800;
	s13 =	simm.s32 $0x14000;
	s14 =	simm.s32 $0x14800;
	v16 =	vor.u32 v13, v14;
	v13 =	vand.u32 $0x7, v18;
	v14 =	vor.u32 $0x8, v18  }
0x2b: {  	v6 =	vadd.s32 s15, v18;
	s15 =	simm.s32 $0x15000;
	s26 =	simm.s32 $0x16000;
	[dreg:$0x1b] =	wrdreg s6;
	v19 =	vperm.xlane v16, v13;
	v20 =	vperm.xlane v16, v14  }
0x2c: {  	v17 =	vadd.s32 s25, v18;
	s6 =	sadd.s32 $0x200, s2;
	[smem:$0x7FD] =	sst s31;
	s8 =	smax.u32 s1, $0x1;
	v11 =	vadd.s32 s20, v18;
	v16 =	vadd.s32 s23, v18  }
0x2d: {  	s1 =	simm.s32 $0x11000;
	s20 =	simm.s32 $0x15800;
	v18 =	vadd.s32 s19, v18;
	s19 =	simm.s32 $0x4;
	v19 =	vadd.s32 v15, v19;
	v20 =	vadd.s32 v15, v20  }
.LBB2_1:
0x2e: {  	[tilespmem:$0x18000] =	vst v0  }
0x2f: {  	[tilespmem:$0x18010] =	vst v1  }
0x30: {  	[tilespmem:$0x18020] =	vst v2  }
0x31: {  	[tilespmem:$0x18030] =	vst v3  }
0x32: {  	[tilespmem:$0x18040] =	vst v4  }
0x33: {  	[tilespmem:$0x18050] =	vst v5  }
0x34: {  	[tilespmem:$0x18060] =	vst v6  }
0x35: {  	[tilespmem:$0x18070] =	vst v7  }
0x36: {  	[tilespmem:$0x18080] =	vst v8  }
0x37: {  	[tilespmem:$0x18090] =	vst v9  }
0x38: {  	[tilespmem:$0x180A0] =	vst v10  }
0x39: {  	[tilespmem:$0x180B0] =	vst v11  }
0x3a: {  	[tilespmem:$0x180C0] =	vst v12  }
0x3b: {  	[tilespmem:$0x180D0] =	vst v16  }
0x3c: {  	[tilespmem:$0x180E0] =	vst v17  }
0x3d: {  	[tilespmem:$0x180F0] =	vst v18  }
0x3e: {  	[tilespmem:s3], [sflag:$0x1] =	stream.indirect_vreg.gather [hbm4b:s2+s3], $0x80, v19, vm0, $0xb8;
	[tilespmem:$0x18100] =	vst v63  }
0x3f: {  	s0 =	simm.s32 $0x800  }
0x40: {  	[tilespmem:s0], [sflag:$0x1] =	stream.indirect_vreg.gather [hbm4b:s5+s3], $0x80, v19, vm0, $0xb8;
	[tilespmem:$0x18100] =	vst v63  }
0x41: {  	s23 =	simm.s32 $0x1000  }
0x42: {  	[tilespmem:s23], [sflag:$0x1] =	stream.indirect_vreg.gather [hbm4b:s6+s3], $0x80, v19, vm0, $0xb8;
	[tilespmem:$0x18100] =	vst v63  }
0x43: {  	s25 =	simm.s32 $0x1800  }
0x44: {  	[tilespmem:s25], [sflag:$0x1] =	stream.indirect_vreg.gather [hbm4b:s7+s3], $0x80, v19, vm0, $0xb8;
	[tilespmem:$0x18100] =	vst v63  }
0x45: {  	s23 =	simm.s32 $0x2000  }
0x46: {  	[tilespmem:s23], [sflag:$0x1] =	stream.indirect_vreg.gather [hbm4b:s2+s3], $0x80, v20, vm0, $0xb8;
	[tilespmem:$0x18100] =	vst v63  }
0x47: {  	s25 =	simm.s32 $0x2800  }
0x48: {  	[tilespmem:s25], [sflag:$0x1] =	stream.indirect_vreg.gather [hbm4b:s5+s3], $0x80, v20, vm0, $0xb8;
	[tilespmem:$0x18100] =	vst v63  }
0x49: {  	s23 =	simm.s32 $0x3000  }
0x4a: {  	[tilespmem:s23], [sflag:$0x1] =	stream.indirect_vreg.gather [hbm4b:s6+s3], $0x80, v20, vm0, $0xb8;
	[tilespmem:$0x18100] =	vst v63  }
0x4b: {  	s25 =	simm.s32 $0x3800  }
0x4c: {  	[tilespmem:s25], [sflag:$0x1] =	stream.indirect_vreg.gather [hbm4b:s7+s3], $0x80, v20, vm0, $0xb8;
	[tilespmem:$0x18100] =	vst v63  }
0x4d: {  	v21 =	vld [tilespmem:$0x18010];
	_ =	sdelay $0x4  }
0x4e: {  	v22 =	vshll.u32 v21, $0x3  }
0x4f: {  	v21 =	vand.u32 $0x7, v21;
	v22 =	vand.u32 $0xFFFFFFC0, v22  }
0x50: {  	v21 =	vor.u32 v21, v22  }
0x51: {  	v22 =	vperm.xlane v21, v13;
	_ =	sdelay $0x1  }
0x52: {  	v22 =	vadd.s32 v15, v22;
	_ =	sdelay $0x3  }
0x53: {  	s23 =	simm.s32 $0x4000  }
0x54: {  	[tilespmem:s23], [sflag:$0x1] =	stream.indirect_vreg.gather [hbm4b:s2+s3], $0x80, v22, vm0, $0xb8;
	[tilespmem:$0x18100] =	vst v63  }
0x55: {  	s25 =	simm.s32 $0x4800;
	v21 =	vperm.xlane v21, v14  }
0x56: {  	[tilespmem:s25], [sflag:$0x1] =	stream.indirect_vreg.gather [hbm4b:s5+s3], $0x80, v22, vm0, $0xb8;
	[tilespmem:$0x18100] =	vst v63  }
0x57: {  	v21 =	vadd.s32 v15, v21;
	s23 =	simm.s32 $0x5000  }
0x58: {  	[tilespmem:s23], [sflag:$0x1] =	stream.indirect_vreg.gather [hbm4b:s6+s3], $0x80, v22, vm0, $0xb8;
	[tilespmem:$0x18100] =	vst v63  }
0x59: {  	s25 =	simm.s32 $0x5800  }
0x5a: {  	[tilespmem:s25], [sflag:$0x1] =	stream.indirect_vreg.gather [hbm4b:s7+s3], $0x80, v22, vm0, $0xb8;
	[tilespmem:$0x18100] =	vst v63  }
0x5b: {  	s23 =	simm.s32 $0x6000  }
0x5c: {  	[tilespmem:s23], [sflag:$0x1] =	stream.indirect_vreg.gather [hbm4b:s2+s3], $0x80, v21, vm0, $0xb8;
	[tilespmem:$0x18100] =	vst v63  }
0x5d: {  	s25 =	simm.s32 $0x6800  }
0x5e: {  	[tilespmem:s25], [sflag:$0x1] =	stream.indirect_vreg.gather [hbm4b:s5+s3], $0x80, v21, vm0, $0xb8;
	[tilespmem:$0x18100] =	vst v63  }
0x5f: {  	s23 =	simm.s32 $0x7000  }
0x60: {  	[tilespmem:s23], [sflag:$0x1] =	stream.indirect_vreg.gather [hbm4b:s6+s3], $0x80, v21, vm0, $0xb8;
	[tilespmem:$0x18100] =	vst v63  }
0x61: {  	s25 =	simm.s32 $0x7800  }
0x62: {  	[tilespmem:s25], [sflag:$0x1] =	stream.indirect_vreg.gather [hbm4b:s7+s3], $0x80, v21, vm0, $0xb8;
	[tilespmem:$0x18100] =	vst v63  }
0x63: {  	v21 =	vld [tilespmem:$0x18020];
	_ =	sdelay $0x4  }
0x64: {  	v22 =	vshll.u32 v21, $0x3  }
0x65: {  	v21 =	vand.u32 $0x7, v21;
	v22 =	vand.u32 $0xFFFFFFC0, v22  }
0x66: {  	v21 =	vor.u32 v21, v22  }
0x67: {  	v22 =	vperm.xlane v21, v13;
	_ =	sdelay $0x1  }
0x68: {  	v22 =	vadd.s32 v15, v22;
	_ =	sdelay $0x4  }
0x69: {  	[tilespmem:s24], [sflag:$0x2] =	stream.indirect_vreg.gather [hbm4b:s2+s3], $0x80, v22, vm0, $0xb8;
	[tilespmem:$0x18100] =	vst v63  }
0x6a: {  	s23 =	simm.s32 $0x8800;
	v21 =	vperm.xlane v21, v14  }
0x6b: {  	[tilespmem:s23], [sflag:$0x2] =	stream.indirect_vreg.gather [hbm4b:s5+s3], $0x80, v22, vm0, $0xb8;
	[tilespmem:$0x18100] =	vst v63  }
0x6c: {  	s25 =	simm.s32 $0x9000;
	v21 =	vadd.s32 v15, v21  }
0x6d: {  	[tilespmem:s25], [sflag:$0x2] =	stream.indirect_vreg.gather [hbm4b:s6+s3], $0x80, v22, vm0, $0xb8;
	[tilespmem:$0x18100] =	vst v63  }
0x6e: {  	s23 =	simm.s32 $0x9800  }
0x6f: {  	[tilespmem:s23], [sflag:$0x2] =	stream.indirect_vreg.gather [hbm4b:s7+s3], $0x80, v22, vm0, $0xb8;
	[tilespmem:$0x18100] =	vst v63  }
0x70: {  	s25 =	simm.s32 $0xA000  }
0x71: {  	[tilespmem:s25], [sflag:$0x2] =	stream.indirect_vreg.gather [hbm4b:s2+s3], $0x80, v21, vm0, $0xb8;
	[tilespmem:$0x18100] =	vst v63  }
0x72: {  	s23 =	simm.s32 $0xA800  }
0x73: {  	[tilespmem:s23], [sflag:$0x2] =	stream.indirect_vreg.gather [hbm4b:s5+s3], $0x80, v21, vm0, $0xb8;
	[tilespmem:$0x18100] =	vst v63  }
0x74: {  	s25 =	simm.s32 $0xB000  }
0x75: {  	[tilespmem:s25], [sflag:$0x2] =	stream.indirect_vreg.gather [hbm4b:s6+s3], $0x80, v21, vm0, $0xb8;
	[tilespmem:$0x18100] =	vst v63  }
0x76: {  	s23 =	simm.s32 $0xB800  }
0x77: {  	[tilespmem:s23], [sflag:$0x2] =	stream.indirect_vreg.gather [hbm4b:s7+s3], $0x80, v21, vm0, $0xb8;
	[tilespmem:$0x18100] =	vst v63  }
0x78: {  	v21 =	vld [tilespmem:$0x18030];
	_ =	sdelay $0x4  }
0x79: {  	v22 =	vshll.u32 v21, $0x3  }
0x7a: {  	v21 =	vand.u32 $0x7, v21;
	v22 =	vand.u32 $0xFFFFFFC0, v22  }
0x7b: {  	v21 =	vor.u32 v21, v22  }
0x7c: {  	v22 =	vperm.xlane v21, v13;
	_ =	sdelay $0x1  }
0x7d: {  	v22 =	vadd.s32 v15, v22;
	_ =	sdelay $0x3  }
0x7e: {  	s25 =	simm.s32 $0xC000  }
0x7f: {  	[tilespmem:s25], [sflag:$0x2] =	stream.indirect_vreg.gather [hbm4b:s2+s3], $0x80, v22, vm0, $0xb8;
	[tilespmem:$0x18100] =	vst v63  }
0x80: {  	s23 =	simm.s32 $0xC800;
	v21 =	vperm.xlane v21, v14  }
0x81: {  	[tilespmem:s23], [sflag:$0x2] =	stream.indirect_vreg.gather [hbm4b:s5+s3], $0x80, v22, vm0, $0xb8;
	[tilespmem:$0x18100] =	vst v63  }
0x82: {  	v21 =	vadd.s32 v15, v21;
	s25 =	simm.s32 $0xD000  }
0x83: {  	[tilespmem:s25], [sflag:$0x2] =	stream.indirect_vreg.gather [hbm4b:s6+s3], $0x80, v22, vm0, $0xb8;
	[tilespmem:$0x18100] =	vst v63  }
0x84: {  	s23 =	simm.s32 $0xD800  }
0x85: {  	[tilespmem:s23], [sflag:$0x2] =	stream.indirect_vreg.gather [hbm4b:s7+s3], $0x80, v22, vm0, $0xb8;
	[tilespmem:$0x18100] =	vst v63  }
0x86: {  	s25 =	simm.s32 $0xE000  }
0x87: {  	[tilespmem:s25], [sflag:$0x2] =	stream.indirect_vreg.gather [hbm4b:s2+s3], $0x80, v21, vm0, $0xb8;
	[tilespmem:$0x18100] =	vst v63  }
0x88: {  	s23 =	simm.s32 $0xE800  }
0x89: {  	[tilespmem:s23], [sflag:$0x2] =	stream.indirect_vreg.gather [hbm4b:s5+s3], $0x80, v21, vm0, $0xb8;
	[tilespmem:$0x18100] =	vst v63  }
0x8a: {  	s25 =	simm.s32 $0xF000  }
0x8b: {  	[tilespmem:s25], [sflag:$0x2] =	stream.indirect_vreg.gather [hbm4b:s6+s3], $0x80, v21, vm0, $0xb8;
	[tilespmem:$0x18100] =	vst v63  }
0x8c: {  	s23 =	simm.s32 $0xF800  }
0x8d: {  	[tilespmem:s23], [sflag:$0x2] =	stream.indirect_vreg.gather [hbm4b:s7+s3], $0x80, v21, vm0, $0xb8;
	[tilespmem:$0x18100] =	vst v63  }
0x8e: {  	v21 =	vld [tilespmem:$0x18040];
	_ =	sdelay $0x4  }
0x8f: {  	v22 =	vshll.u32 v21, $0x3  }
0x90: {  	v21 =	vand.u32 $0x7, v21;
	v22 =	vand.u32 $0xFFFFFFC0, v22  }
0x91: {  	v21 =	vor.u32 v21, v22  }
0x92: {  	v22 =	vperm.xlane v21, v13;
	_ =	sdelay $0x1  }
0x93: {  	v22 =	vadd.s32 v15, v22;
	_ =	sdelay $0x4  }
0x94: {  	[tilespmem:s16], [sflag:$0x3] =	stream.indirect_vreg.gather [hbm4b:s2+s3], $0x80, v22, vm0, $0xb8;
	[tilespmem:$0x18100] =	vst v63  }
0x95: {  	s0 =	simm.s32 $0x10800;
	v21 =	vperm.xlane v21, v14  }
0x96: {  	[tilespmem:s0], [sflag:$0x3] =	stream.indirect_vreg.gather [hbm4b:s5+s3], $0x80, v22, vm0, $0xb8;
	[tilespmem:$0x18100] =	vst v63  }
0x97: {  	v21 =	vadd.s32 v15, v21  }
0x98: {  	[tilespmem:s1], [sflag:$0x3] =	stream.indirect_vreg.gather [hbm4b:s6+s3], $0x80, v22, vm0, $0xb8;
	[tilespmem:$0x18100] =	vst v63  }
0x99: {  	_ = 	snop  }
0x9a: {  	[tilespmem:s4], [sflag:$0x3] =	stream.indirect_vreg.gather [hbm4b:s7+s3], $0x80, v22, vm0, $0xb8;
	[tilespmem:$0x18100] =	vst v63  }
0x9b: {  	_ = 	snop  }
0x9c: {  	[tilespmem:s9], [sflag:$0x3] =	stream.indirect_vreg.gather [hbm4b:s2+s3], $0x80, v21, vm0, $0xb8;
	[tilespmem:$0x18100] =	vst v63  }
0x9d: {  	_ = 	snop  }
0x9e: {  	[tilespmem:s10], [sflag:$0x3] =	stream.indirect_vreg.gather [hbm4b:s5+s3], $0x80, v21, vm0, $0xb8;
	[tilespmem:$0x18100] =	vst v63  }
0x9f: {  	_ = 	snop  }
0xa0: {  	[tilespmem:s11], [sflag:$0x3] =	stream.indirect_vreg.gather [hbm4b:s6+s3], $0x80, v21, vm0, $0xb8;
	[tilespmem:$0x18100] =	vst v63  }
0xa1: {  	_ = 	snop  }
0xa2: {  	[tilespmem:s12], [sflag:$0x3] =	stream.indirect_vreg.gather [hbm4b:s7+s3], $0x80, v21, vm0, $0xb8;
	[tilespmem:$0x18100] =	vst v63  }
0xa3: {  	v21 =	vld [tilespmem:$0x18050];
	_ =	sdelay $0x4  }
0xa4: {  	v22 =	vshll.u32 v21, $0x3  }
0xa5: {  	v21 =	vand.u32 $0x7, v21;
	v22 =	vand.u32 $0xFFFFFFC0, v22  }
0xa6: {  	v21 =	vor.u32 v21, v22  }
0xa7: {  	v22 =	vperm.xlane v21, v13;
	_ =	sdelay $0x1  }
0xa8: {  	v22 =	vadd.s32 v15, v22;
	_ =	sdelay $0x4  }
0xa9: {  	[tilespmem:s13], [sflag:$0x3] =	stream.indirect_vreg.gather [hbm4b:s2+s3], $0x80, v22, vm0, $0xb8;
	[tilespmem:$0x18100] =	vst v63  }
0xaa: {  	v21 =	vperm.xlane v21, v14  }
0xab: {  	[tilespmem:s14], [sflag:$0x3] =	stream.indirect_vreg.gather [hbm4b:s5+s3], $0x80, v22, vm0, $0xb8;
	[tilespmem:$0x18100] =	vst v63  }
0xac: {  	v21 =	vadd.s32 v15, v21  }
0xad: {  	[tilespmem:s15], [sflag:$0x3] =	stream.indirect_vreg.gather [hbm4b:s6+s3], $0x80, v22, vm0, $0xb8;
	[tilespmem:$0x18100] =	vst v63  }
0xae: {  	_ = 	snop  }
0xaf: {  	[tilespmem:s20], [sflag:$0x3] =	stream.indirect_vreg.gather [hbm4b:s7+s3], $0x80, v22, vm0, $0xb8;
	[tilespmem:$0x18100] =	vst v63  }
0xb0: {  	_ = 	snop  }
0xb1: {  	[tilespmem:s26], [sflag:$0x3] =	stream.indirect_vreg.gather [hbm4b:s2+s3], $0x80, v21, vm0, $0xb8;
	[tilespmem:$0x18100] =	vst v63  }
0xb2: {  	_ = 	snop  }
0xb3: {  	[tilespmem:s28], [sflag:$0x3] =	stream.indirect_vreg.gather [hbm4b:s5+s3], $0x80, v21, vm0, $0xb8;
	[tilespmem:$0x18100] =	vst v63  }
0xb4: {  	_ = 	snop  }
0xb5: {  	[tilespmem:s29], [sflag:$0x3] =	stream.indirect_vreg.gather [hbm4b:s6+s3], $0x80, v21, vm0, $0xb8;
	[tilespmem:$0x18100] =	vst v63  }
0xb6: {  	_ = 	snop  }
0xb7: {  	[tilespmem:s30], [sflag:$0x3] =	stream.indirect_vreg.gather [hbm4b:s7+s3], $0x80, v21, vm0, $0xb8;
	[tilespmem:$0x18100] =	vst v63  }
0xb8: {  	_ =	swait.ge [sflag:s17], $0x8000  }
0xb9: {  	s25 =	sld [smem:$0x7FC]  }
0xba: {  	[sflag:s17] =	ssyncset.done $0x0  }
0xbb: {  	[sflag:s17] =	ssyncadd.s32 $0xFFFF8000  }
0xbc: {  	[hbm4b:s25+s3] =	stream.linear.scatter [tilespmem:s3], [sflag:$0x4], $0x8000, $0x38;
	[tilespmem:$0x18100] =	vst v63  }
0xbd: {  	s23 =	rddreg [dreg:$0x3]  }
0xbe: {  	[hbm4b:s23+s3] =	stream.linear.scatter [tilespmem:s3], [sflag:$0x4], $0x8000, $0x38;
	[tilespmem:$0x18100] =	vst v63  }
0xbf: {  	s25 =	rddreg [dreg:$0x4]  }
0xc0: {  	[hbm4b:s25+s3] =	stream.linear.scatter [tilespmem:s3], [sflag:$0x4], $0x8000, $0x38;
	[tilespmem:$0x18100] =	vst v63  }
0xc1: {  	s23 =	rddreg [dreg:$0x5]  }
0xc2: {  	[hbm4b:s23+s3] =	stream.linear.scatter [tilespmem:s3], [sflag:$0x4], $0x8000, $0x38;
	[tilespmem:$0x18100] =	vst v63  }
0xc3: {  	_ =	swait.ge [sflag:s18], $0x8000  }
0xc4: {  	[sflag:s18] =	ssyncset.done $0x0  }
0xc5: {  	s23 =	rddreg [dreg:$0x6];
	[sflag:s18] =	ssyncadd.s32 $0xFFFF8000  }
0xc6: {  	[hbm4b:s23+s3] =	stream.linear.scatter [tilespmem:s24], [sflag:$0x5], $0x8000, $0x38;
	[tilespmem:$0x18100] =	vst v63  }
0xc7: {  	s25 =	rddreg [dreg:$0x7]  }
0xc8: {  	[hbm4b:s25+s3] =	stream.linear.scatter [tilespmem:s24], [sflag:$0x5], $0x8000, $0x38;
	[tilespmem:$0x18100] =	vst v63  }
0xc9: {  	s23 =	rddreg [dreg:$0x8]  }
0xca: {  	[hbm4b:s23+s3] =	stream.linear.scatter [tilespmem:s24], [sflag:$0x5], $0x8000, $0x38;
	[tilespmem:$0x18100] =	vst v63  }
0xcb: {  	s25 =	rddreg [dreg:$0x9]  }
0xcc: {  	[hbm4b:s25+s3] =	stream.linear.scatter [tilespmem:s24], [sflag:$0x5], $0x8000, $0x38;
	[tilespmem:$0x18100] =	vst v63  }
0xcd: {  	_ =	swait.ge [sflag:s19], $0x8000  }
0xce: {  	[sflag:s19] =	ssyncset.done $0x0  }
0xcf: {  	[sflag:s19] =	ssyncadd.s32 $0xFFFF8000  }
0xd0: {  	_ =	swait.ge [sflag:s19], $0x8000  }
0xd1: {  	[sflag:s19] =	ssyncset.done $0x0  }
0xd2: {  	[sflag:s19] =	ssyncadd.s32 $0xFFFF8000  }
0xd3: {  	_ =	swait.ge [sflag:s19], $0x8000  }
0xd4: {  	[sflag:s19] =	ssyncset.done $0x0  }
0xd5: {  	[sflag:s19] =	ssyncadd.s32 $0xFFFF8000  }
0xd6: {  	_ =	swait.ge [sflag:s19], $0x8000  }
0xd7: {  	[sflag:s19] =	ssyncset.done $0x0  }
0xd8: {  	[sflag:s19] =	ssyncadd.s32 $0xFFFF8000  }
0xd9: {  	v21 =	vld [tilespmem:$0x18060];
	_ =	sdelay $0x4  }
0xda: {  	v22 =	vshll.u32 v21, $0x3  }
0xdb: {  	v21 =	vand.u32 $0x7, v21;
	v22 =	vand.u32 $0xFFFFFFC0, v22  }
0xdc: {  	v21 =	vor.u32 v21, v22  }
0xdd: {  	v22 =	vperm.xlane v21, v13;
	_ =	sdelay $0x1  }
0xde: {  	v22 =	vadd.s32 v15, v22;
	_ =	sdelay $0x4  }
0xdf: {  	[tilespmem:s3], [sflag:$0x1] =	stream.indirect_vreg.gather [hbm4b:s2+s3], $0x80, v22, vm0, $0xb8;
	[tilespmem:$0x18100] =	vst v63  }
0xe0: {  	s31 =	simm.s32 $0x800;
	v21 =	vperm.xlane v21, v14  }
0xe1: {  	[tilespmem:s31], [sflag:$0x1] =	stream.indirect_vreg.gather [hbm4b:s5+s3], $0x80, v22, vm0, $0xb8;
	[tilespmem:$0x18100] =	vst v63  }
0xe2: {  	s25 =	simm.s32 $0x1000;
	v21 =	vadd.s32 v15, v21  }
0xe3: {  	[tilespmem:s25], [sflag:$0x1] =	stream.indirect_vreg.gather [hbm4b:s6+s3], $0x80, v22, vm0, $0xb8;
	[tilespmem:$0x18100] =	vst v63  }
0xe4: {  	s31 =	simm.s32 $0x1800  }
0xe5: {  	[tilespmem:s31], [sflag:$0x1] =	stream.indirect_vreg.gather [hbm4b:s7+s3], $0x80, v22, vm0, $0xb8;
	[tilespmem:$0x18100] =	vst v63  }
0xe6: {  	s25 =	simm.s32 $0x2000  }
0xe7: {  	[tilespmem:s25], [sflag:$0x1] =	stream.indirect_vreg.gather [hbm4b:s2+s3], $0x80, v21, vm0, $0xb8;
	[tilespmem:$0x18100] =	vst v63  }
0xe8: {  	s31 =	simm.s32 $0x2800  }
0xe9: {  	[tilespmem:s31], [sflag:$0x1] =	stream.indirect_vreg.gather [hbm4b:s5+s3], $0x80, v21, vm0, $0xb8;
	[tilespmem:$0x18100] =	vst v63  }
0xea: {  	s25 =	simm.s32 $0x3000  }
0xeb: {  	[tilespmem:s25], [sflag:$0x1] =	stream.indirect_vreg.gather [hbm4b:s6+s3], $0x80, v21, vm0, $0xb8;
	[tilespmem:$0x18100] =	vst v63  }
0xec: {  	s31 =	simm.s32 $0x3800  }
0xed: {  	[tilespmem:s31], [sflag:$0x1] =	stream.indirect_vreg.gather [hbm4b:s7+s3], $0x80, v21, vm0, $0xb8;
	[tilespmem:$0x18100] =	vst v63  }
0xee: {  	v21 =	vld [tilespmem:$0x18070];
	_ =	sdelay $0x4  }
0xef: {  	v22 =	vshll.u32 v21, $0x3  }
0xf0: {  	v21 =	vand.u32 $0x7, v21;
	v22 =	vand.u32 $0xFFFFFFC0, v22  }
0xf1: {  	v21 =	vor.u32 v21, v22  }
0xf2: {  	v22 =	vperm.xlane v21, v13;
	_ =	sdelay $0x1  }
0xf3: {  	v22 =	vadd.s32 v15, v22;
	_ =	sdelay $0x3  }
0xf4: {  	s25 =	simm.s32 $0x4000  }
0xf5: {  	[tilespmem:s25], [sflag:$0x1] =	stream.indirect_vreg.gather [hbm4b:s2+s3], $0x80, v22, vm0, $0xb8;
	[tilespmem:$0x18100] =	vst v63  }
0xf6: {  	s31 =	simm.s32 $0x4800;
	v21 =	vperm.xlane v21, v14  }
0xf7: {  	[tilespmem:s31], [sflag:$0x1] =	stream.indirect_vreg.gather [hbm4b:s5+s3], $0x80, v22, vm0, $0xb8;
	[tilespmem:$0x18100] =	vst v63  }
0xf8: {  	v21 =	vadd.s32 v15, v21;
	s25 =	simm.s32 $0x5000  }
0xf9: {  	[tilespmem:s25], [sflag:$0x1] =	stream.indirect_vreg.gather [hbm4b:s6+s3], $0x80, v22, vm0, $0xb8;
	[tilespmem:$0x18100] =	vst v63  }
0xfa: {  	s31 =	simm.s32 $0x5800  }
0xfb: {  	[tilespmem:s31], [sflag:$0x1] =	stream.indirect_vreg.gather [hbm4b:s7+s3], $0x80, v22, vm0, $0xb8;
	[tilespmem:$0x18100] =	vst v63  }
0xfc: {  	s25 =	simm.s32 $0x6000  }
0xfd: {  	[tilespmem:s25], [sflag:$0x1] =	stream.indirect_vreg.gather [hbm4b:s2+s3], $0x80, v21, vm0, $0xb8;
	[tilespmem:$0x18100] =	vst v63  }
0xfe: {  	s31 =	simm.s32 $0x6800  }
0xff: {  	[tilespmem:s31], [sflag:$0x1] =	stream.indirect_vreg.gather [hbm4b:s5+s3], $0x80, v21, vm0, $0xb8;
	[tilespmem:$0x18100] =	vst v63  }
0x100: {  	s25 =	simm.s32 $0x7000  }
0x101: {  	[tilespmem:s25], [sflag:$0x1] =	stream.indirect_vreg.gather [hbm4b:s6+s3], $0x80, v21, vm0, $0xb8;
	[tilespmem:$0x18100] =	vst v63  }
0x102: {  	s31 =	simm.s32 $0x7800  }
0x103: {  	[tilespmem:s31], [sflag:$0x1] =	stream.indirect_vreg.gather [hbm4b:s7+s3], $0x80, v21, vm0, $0xb8;
	[tilespmem:$0x18100] =	vst v63  }
0x104: {  	s31 =	simm.s32 $0x3  }
0x105: {  	_ =	swait.ge [sflag:s31], $0x8000  }
0x106: {  	[sflag:s31] =	ssyncset.done $0x0  }
0x107: {  	s23 =	rddreg [dreg:$0xa];
	[sflag:s31] =	ssyncadd.s32 $0xFFFF8000  }
0x108: {  	[hbm4b:s23+s3] =	stream.linear.scatter [tilespmem:s16], [sflag:$0x6], $0x8000, $0x38;
	[tilespmem:$0x18100] =	vst v63  }
0x109: {  	s25 =	rddreg [dreg:$0xb]  }
0x10a: {  	[hbm4b:s25+s3] =	stream.linear.scatter [tilespmem:s16], [sflag:$0x6], $0x8000, $0x38;
	[tilespmem:$0x18100] =	vst v63  }
0x10b: {  	s23 =	rddreg [dreg:$0xc]  }
0x10c: {  	[hbm4b:s23+s3] =	stream.linear.scatter [tilespmem:s16], [sflag:$0x6], $0x8000, $0x38;
	[tilespmem:$0x18100] =	vst v63  }
0x10d: {  	s25 =	rddreg [dreg:$0xd]  }
0x10e: {  	[hbm4b:s25+s3] =	stream.linear.scatter [tilespmem:s16], [sflag:$0x6], $0x8000, $0x38;
	[tilespmem:$0x18100] =	vst v63  }
0x10f: {  	_ =	swait.ge [sflag:s21], $0x8000  }
0x110: {  	[sflag:s21] =	ssyncset.done $0x0  }
0x111: {  	[sflag:s21] =	ssyncadd.s32 $0xFFFF8000  }
0x112: {  	_ =	swait.ge [sflag:s21], $0x8000  }
0x113: {  	[sflag:s21] =	ssyncset.done $0x0  }
0x114: {  	[sflag:s21] =	ssyncadd.s32 $0xFFFF8000  }
0x115: {  	_ =	swait.ge [sflag:s21], $0x8000  }
0x116: {  	[sflag:s21] =	ssyncset.done $0x0  }
0x117: {  	[sflag:s21] =	ssyncadd.s32 $0xFFFF8000  }
0x118: {  	_ =	swait.ge [sflag:s21], $0x8000  }
0x119: {  	[sflag:s21] =	ssyncset.done $0x0  }
0x11a: {  	[sflag:s21] =	ssyncadd.s32 $0xFFFF8000  }
0x11b: {  	v21 =	vld [tilespmem:$0x18080];
	_ =	sdelay $0x4  }
0x11c: {  	v22 =	vshll.u32 v21, $0x3  }
0x11d: {  	v21 =	vand.u32 $0x7, v21;
	v22 =	vand.u32 $0xFFFFFFC0, v22  }
0x11e: {  	v21 =	vor.u32 v21, v22  }
0x11f: {  	v22 =	vperm.xlane v21, v13;
	_ =	sdelay $0x1  }
0x120: {  	v22 =	vadd.s32 v15, v22;
	_ =	sdelay $0x4  }
0x121: {  	[tilespmem:s24], [sflag:$0x2] =	stream.indirect_vreg.gather [hbm4b:s2+s3], $0x80, v22, vm0, $0xb8;
	[tilespmem:$0x18100] =	vst v63  }
0x122: {  	s25 =	simm.s32 $0x8800;
	v21 =	vperm.xlane v21, v14  }
0x123: {  	[tilespmem:s25], [sflag:$0x2] =	stream.indirect_vreg.gather [hbm4b:s5+s3], $0x80, v22, vm0, $0xb8;
	[tilespmem:$0x18100] =	vst v63  }
0x124: {  	v21 =	vadd.s32 v15, v21;
	s25 =	simm.s32 $0x9000  }
0x125: {  	[tilespmem:s25], [sflag:$0x2] =	stream.indirect_vreg.gather [hbm4b:s6+s3], $0x80, v22, vm0, $0xb8;
	[tilespmem:$0x18100] =	vst v63  }
0x126: {  	s25 =	simm.s32 $0x9800  }
0x127: {  	[tilespmem:s25], [sflag:$0x2] =	stream.indirect_vreg.gather [hbm4b:s7+s3], $0x80, v22, vm0, $0xb8;
	[tilespmem:$0x18100] =	vst v63  }
0x128: {  	s25 =	simm.s32 $0xA000  }
0x129: {  	[tilespmem:s25], [sflag:$0x2] =	stream.indirect_vreg.gather [hbm4b:s2+s3], $0x80, v21, vm0, $0xb8;
	[tilespmem:$0x18100] =	vst v63  }
0x12a: {  	s25 =	simm.s32 $0xA800  }
0x12b: {  	[tilespmem:s25], [sflag:$0x2] =	stream.indirect_vreg.gather [hbm4b:s5+s3], $0x80, v21, vm0, $0xb8;
	[tilespmem:$0x18100] =	vst v63  }
0x12c: {  	s25 =	simm.s32 $0xB000  }
0x12d: {  	[tilespmem:s25], [sflag:$0x2] =	stream.indirect_vreg.gather [hbm4b:s6+s3], $0x80, v21, vm0, $0xb8;
	[tilespmem:$0x18100] =	vst v63  }
0x12e: {  	s25 =	simm.s32 $0xB800  }
0x12f: {  	[tilespmem:s25], [sflag:$0x2] =	stream.indirect_vreg.gather [hbm4b:s7+s3], $0x80, v21, vm0, $0xb8;
	[tilespmem:$0x18100] =	vst v63  }
0x130: {  	v21 =	vld [tilespmem:$0x18090];
	_ =	sdelay $0x4  }
0x131: {  	v22 =	vshll.u32 v21, $0x3  }
0x132: {  	v21 =	vand.u32 $0x7, v21;
	v22 =	vand.u32 $0xFFFFFFC0, v22  }
0x133: {  	v21 =	vor.u32 v21, v22  }
0x134: {  	v22 =	vperm.xlane v21, v13;
	_ =	sdelay $0x1  }
0x135: {  	v22 =	vadd.s32 v15, v22;
	_ =	sdelay $0x3  }
0x136: {  	s25 =	simm.s32 $0xC000  }
0x137: {  	[tilespmem:s25], [sflag:$0x2] =	stream.indirect_vreg.gather [hbm4b:s2+s3], $0x80, v22, vm0, $0xb8;
	[tilespmem:$0x18100] =	vst v63  }
0x138: {  	v21 =	vperm.xlane v21, v14;
	s25 =	simm.s32 $0xC800  }
0x139: {  	[tilespmem:s25], [sflag:$0x2] =	stream.indirect_vreg.gather [hbm4b:s5+s3], $0x80, v22, vm0, $0xb8;
	[tilespmem:$0x18100] =	vst v63  }
0x13a: {  	v21 =	vadd.s32 v15, v21;
	s25 =	simm.s32 $0xD000  }
0x13b: {  	[tilespmem:s25], [sflag:$0x2] =	stream.indirect_vreg.gather [hbm4b:s6+s3], $0x80, v22, vm0, $0xb8;
	[tilespmem:$0x18100] =	vst v63  }
0x13c: {  	s25 =	simm.s32 $0xD800  }
0x13d: {  	[tilespmem:s25], [sflag:$0x2] =	stream.indirect_vreg.gather [hbm4b:s7+s3], $0x80, v22, vm0, $0xb8;
	[tilespmem:$0x18100] =	vst v63  }
0x13e: {  	s25 =	simm.s32 $0xE000  }
0x13f: {  	[tilespmem:s25], [sflag:$0x2] =	stream.indirect_vreg.gather [hbm4b:s2+s3], $0x80, v21, vm0, $0xb8;
	[tilespmem:$0x18100] =	vst v63  }
0x140: {  	s25 =	simm.s32 $0xE800  }
0x141: {  	[tilespmem:s25], [sflag:$0x2] =	stream.indirect_vreg.gather [hbm4b:s5+s3], $0x80, v21, vm0, $0xb8;
	[tilespmem:$0x18100] =	vst v63  }
0x142: {  	s25 =	simm.s32 $0xF000  }
0x143: {  	[tilespmem:s25], [sflag:$0x2] =	stream.indirect_vreg.gather [hbm4b:s6+s3], $0x80, v21, vm0, $0xb8;
	[tilespmem:$0x18100] =	vst v63  }
0x144: {  	s25 =	simm.s32 $0xF800  }
0x145: {  	[tilespmem:s25], [sflag:$0x2] =	stream.indirect_vreg.gather [hbm4b:s7+s3], $0x80, v21, vm0, $0xb8;
	[tilespmem:$0x18100] =	vst v63  }
0x146: {  	_ =	swait.ge [sflag:s17], $0x8000  }
0x147: {  	[sflag:s17] =	ssyncset.done $0x0  }
0x148: {  	s23 =	rddreg [dreg:$0xe];
	[sflag:s17] =	ssyncadd.s32 $0xFFFF8000  }
0x149: {  	[hbm4b:s23+s3] =	stream.linear.scatter [tilespmem:s3], [sflag:$0x4], $0x8000, $0x38;
	[tilespmem:$0x18100] =	vst v63  }
0x14a: {  	s25 =	rddreg [dreg:$0xf]  }
0x14b: {  	[hbm4b:s25+s3] =	stream.linear.scatter [tilespmem:s3], [sflag:$0x4], $0x8000, $0x38;
	[tilespmem:$0x18100] =	vst v63  }
0x14c: {  	s23 =	rddreg [dreg:$0x10]  }
0x14d: {  	[hbm4b:s23+s3] =	stream.linear.scatter [tilespmem:s3], [sflag:$0x4], $0x8000, $0x38;
	[tilespmem:$0x18100] =	vst v63  }
0x14e: {  	s25 =	rddreg [dreg:$0x11]  }
0x14f: {  	[hbm4b:s25+s3] =	stream.linear.scatter [tilespmem:s3], [sflag:$0x4], $0x8000, $0x38;
	[tilespmem:$0x18100] =	vst v63  }
0x150: {  	_ =	swait.ge [sflag:s22], $0x8000  }
0x151: {  	[sflag:s22] =	ssyncset.done $0x0  }
0x152: {  	[sflag:s22] =	ssyncadd.s32 $0xFFFF8000  }
0x153: {  	_ =	swait.ge [sflag:s22], $0x8000  }
0x154: {  	[sflag:s22] =	ssyncset.done $0x0  }
0x155: {  	[sflag:s22] =	ssyncadd.s32 $0xFFFF8000  }
0x156: {  	_ =	swait.ge [sflag:s22], $0x8000  }
0x157: {  	[sflag:s22] =	ssyncset.done $0x0  }
0x158: {  	[sflag:s22] =	ssyncadd.s32 $0xFFFF8000  }
0x159: {  	_ =	swait.ge [sflag:s22], $0x8000  }
0x15a: {  	[sflag:s22] =	ssyncset.done $0x0  }
0x15b: {  	[sflag:s22] =	ssyncadd.s32 $0xFFFF8000  }
0x15c: {  	v21 =	vld [tilespmem:$0x180A0];
	_ =	sdelay $0x4  }
0x15d: {  	v22 =	vshll.u32 v21, $0x3  }
0x15e: {  	v21 =	vand.u32 $0x7, v21;
	v22 =	vand.u32 $0xFFFFFFC0, v22  }
0x15f: {  	v21 =	vor.u32 v21, v22  }
0x160: {  	v22 =	vperm.xlane v21, v13;
	_ =	sdelay $0x1  }
0x161: {  	v22 =	vadd.s32 v15, v22;
	_ =	sdelay $0x4  }
0x162: {  	[tilespmem:s16], [sflag:$0x3] =	stream.indirect_vreg.gather [hbm4b:s2+s3], $0x80, v22, vm0, $0xb8;
	[tilespmem:$0x18100] =	vst v63  }
0x163: {  	v21 =	vperm.xlane v21, v14  }
0x164: {  	[tilespmem:s0], [sflag:$0x3] =	stream.indirect_vreg.gather [hbm4b:s5+s3], $0x80, v22, vm0, $0xb8;
	[tilespmem:$0x18100] =	vst v63  }
0x165: {  	v21 =	vadd.s32 v15, v21  }
0x166: {  	[tilespmem:s1], [sflag:$0x3] =	stream.indirect_vreg.gather [hbm4b:s6+s3], $0x80, v22, vm0, $0xb8;
	[tilespmem:$0x18100] =	vst v63  }
0x167: {  	_ = 	snop  }
0x168: {  	[tilespmem:s4], [sflag:$0x3] =	stream.indirect_vreg.gather [hbm4b:s7+s3], $0x80, v22, vm0, $0xb8;
	[tilespmem:$0x18100] =	vst v63  }
0x169: {  	_ = 	snop  }
0x16a: {  	[tilespmem:s9], [sflag:$0x3] =	stream.indirect_vreg.gather [hbm4b:s2+s3], $0x80, v21, vm0, $0xb8;
	[tilespmem:$0x18100] =	vst v63  }
0x16b: {  	_ = 	snop  }
0x16c: {  	[tilespmem:s10], [sflag:$0x3] =	stream.indirect_vreg.gather [hbm4b:s5+s3], $0x80, v21, vm0, $0xb8;
	[tilespmem:$0x18100] =	vst v63  }
0x16d: {  	_ = 	snop  }
0x16e: {  	[tilespmem:s11], [sflag:$0x3] =	stream.indirect_vreg.gather [hbm4b:s6+s3], $0x80, v21, vm0, $0xb8;
	[tilespmem:$0x18100] =	vst v63  }
0x16f: {  	_ = 	snop  }
0x170: {  	[tilespmem:s12], [sflag:$0x3] =	stream.indirect_vreg.gather [hbm4b:s7+s3], $0x80, v21, vm0, $0xb8;
	[tilespmem:$0x18100] =	vst v63  }
0x171: {  	v21 =	vld [tilespmem:$0x180B0];
	_ =	sdelay $0x4  }
0x172: {  	v22 =	vshll.u32 v21, $0x3  }
0x173: {  	v21 =	vand.u32 $0x7, v21;
	v22 =	vand.u32 $0xFFFFFFC0, v22  }
0x174: {  	v21 =	vor.u32 v21, v22  }
0x175: {  	v22 =	vperm.xlane v21, v13;
	_ =	sdelay $0x1  }
0x176: {  	v22 =	vadd.s32 v15, v22;
	_ =	sdelay $0x4  }
0x177: {  	[tilespmem:s13], [sflag:$0x3] =	stream.indirect_vreg.gather [hbm4b:s2+s3], $0x80, v22, vm0, $0xb8;
	[tilespmem:$0x18100] =	vst v63  }
0x178: {  	v21 =	vperm.xlane v21, v14  }
0x179: {  	[tilespmem:s14], [sflag:$0x3] =	stream.indirect_vreg.gather [hbm4b:s5+s3], $0x80, v22, vm0, $0xb8;
	[tilespmem:$0x18100] =	vst v63  }
0x17a: {  	v21 =	vadd.s32 v15, v21  }
0x17b: {  	[tilespmem:s15], [sflag:$0x3] =	stream.indirect_vreg.gather [hbm4b:s6+s3], $0x80, v22, vm0, $0xb8;
	[tilespmem:$0x18100] =	vst v63  }
0x17c: {  	_ = 	snop  }
0x17d: {  	[tilespmem:s20], [sflag:$0x3] =	stream.indirect_vreg.gather [hbm4b:s7+s3], $0x80, v22, vm0, $0xb8;
	[tilespmem:$0x18100] =	vst v63  }
0x17e: {  	_ = 	snop  }
0x17f: {  	[tilespmem:s26], [sflag:$0x3] =	stream.indirect_vreg.gather [hbm4b:s2+s3], $0x80, v21, vm0, $0xb8;
	[tilespmem:$0x18100] =	vst v63  }
0x180: {  	_ = 	snop  }
0x181: {  	[tilespmem:s28], [sflag:$0x3] =	stream.indirect_vreg.gather [hbm4b:s5+s3], $0x80, v21, vm0, $0xb8;
	[tilespmem:$0x18100] =	vst v63  }
0x182: {  	_ = 	snop  }
0x183: {  	[tilespmem:s29], [sflag:$0x3] =	stream.indirect_vreg.gather [hbm4b:s6+s3], $0x80, v21, vm0, $0xb8;
	[tilespmem:$0x18100] =	vst v63  }
0x184: {  	_ = 	snop  }
0x185: {  	[tilespmem:s30], [sflag:$0x3] =	stream.indirect_vreg.gather [hbm4b:s7+s3], $0x80, v21, vm0, $0xb8;
	[tilespmem:$0x18100] =	vst v63  }
0x186: {  	_ =	swait.ge [sflag:s18], $0x8000  }
0x187: {  	[sflag:s18] =	ssyncset.done $0x0  }
0x188: {  	s25 =	rddreg [dreg:$0x12];
	[sflag:s18] =	ssyncadd.s32 $0xFFFF8000  }
0x189: {  	[hbm4b:s25+s3] =	stream.linear.scatter [tilespmem:s24], [sflag:$0x5], $0x8000, $0x38;
	[tilespmem:$0x18100] =	vst v63  }
0x18a: {  	s0 =	rddreg [dreg:$0x13]  }
0x18b: {  	[hbm4b:s0+s3] =	stream.linear.scatter [tilespmem:s24], [sflag:$0x5], $0x8000, $0x38;
	[tilespmem:$0x18100] =	vst v63  }
0x18c: {  	s23 =	rddreg [dreg:$0x14]  }
0x18d: {  	[hbm4b:s23+s3] =	stream.linear.scatter [tilespmem:s24], [sflag:$0x5], $0x8000, $0x38;
	[tilespmem:$0x18100] =	vst v63  }
0x18e: {  	s0 =	rddreg [dreg:$0x15]  }
0x18f: {  	[hbm4b:s0+s3] =	stream.linear.scatter [tilespmem:s24], [sflag:$0x5], $0x8000, $0x38;
	[tilespmem:$0x18100] =	vst v63  }
0x190: {  	_ =	swait.ge [sflag:s19], $0x8000  }
0x191: {  	[sflag:s19] =	ssyncset.done $0x0  }
0x192: {  	[sflag:s19] =	ssyncadd.s32 $0xFFFF8000  }
0x193: {  	_ =	swait.ge [sflag:s19], $0x8000  }
0x194: {  	[sflag:s19] =	ssyncset.done $0x0  }
0x195: {  	[sflag:s19] =	ssyncadd.s32 $0xFFFF8000  }
0x196: {  	_ =	swait.ge [sflag:s19], $0x8000  }
0x197: {  	[sflag:s19] =	ssyncset.done $0x0  }
0x198: {  	[sflag:s19] =	ssyncadd.s32 $0xFFFF8000  }
0x199: {  	_ =	swait.ge [sflag:s19], $0x8000  }
0x19a: {  	[sflag:s19] =	ssyncset.done $0x0  }
0x19b: {  	[sflag:s19] =	ssyncadd.s32 $0xFFFF8000  }
0x19c: {  	v21 =	vld [tilespmem:$0x180C0];
	_ =	sdelay $0x4  }
0x19d: {  	v22 =	vshll.u32 v21, $0x3  }
0x19e: {  	v21 =	vand.u32 $0x7, v21;
	v22 =	vand.u32 $0xFFFFFFC0, v22  }
0x19f: {  	v21 =	vor.u32 v21, v22  }
0x1a0: {  	v22 =	vperm.xlane v21, v13;
	_ =	sdelay $0x1  }
0x1a1: {  	v22 =	vadd.s32 v15, v22;
	_ =	sdelay $0x4  }
0x1a2: {  	[tilespmem:s3], [sflag:$0x1] =	stream.indirect_vreg.gather [hbm4b:s2+s3], $0x80, v22, vm0, $0xb8;
	[tilespmem:$0x18100] =	vst v63  }
0x1a3: {  	s23 =	simm.s32 $0x800;
	v21 =	vperm.xlane v21, v14  }
0x1a4: {  	[tilespmem:s23], [sflag:$0x1] =	stream.indirect_vreg.gather [hbm4b:s5+s3], $0x80, v22, vm0, $0xb8;
	[tilespmem:$0x18100] =	vst v63  }
0x1a5: {  	s25 =	simm.s32 $0x1000;
	v21 =	vadd.s32 v15, v21  }
0x1a6: {  	[tilespmem:s25], [sflag:$0x1] =	stream.indirect_vreg.gather [hbm4b:s6+s3], $0x80, v22, vm0, $0xb8;
	[tilespmem:$0x18100] =	vst v63  }
0x1a7: {  	s23 =	simm.s32 $0x1800  }
0x1a8: {  	[tilespmem:s23], [sflag:$0x1] =	stream.indirect_vreg.gather [hbm4b:s7+s3], $0x80, v22, vm0, $0xb8;
	[tilespmem:$0x18100] =	vst v63  }
0x1a9: {  	s25 =	simm.s32 $0x2000  }
0x1aa: {  	[tilespmem:s25], [sflag:$0x1] =	stream.indirect_vreg.gather [hbm4b:s2+s3], $0x80, v21, vm0, $0xb8;
	[tilespmem:$0x18100] =	vst v63  }
0x1ab: {  	s23 =	simm.s32 $0x2800  }
0x1ac: {  	[tilespmem:s23], [sflag:$0x1] =	stream.indirect_vreg.gather [hbm4b:s5+s3], $0x80, v21, vm0, $0xb8;
	[tilespmem:$0x18100] =	vst v63  }
0x1ad: {  	s25 =	simm.s32 $0x3000  }
0x1ae: {  	[tilespmem:s25], [sflag:$0x1] =	stream.indirect_vreg.gather [hbm4b:s6+s3], $0x80, v21, vm0, $0xb8;
	[tilespmem:$0x18100] =	vst v63  }
0x1af: {  	s23 =	simm.s32 $0x3800  }
0x1b0: {  	[tilespmem:s23], [sflag:$0x1] =	stream.indirect_vreg.gather [hbm4b:s7+s3], $0x80, v21, vm0, $0xb8;
	[tilespmem:$0x18100] =	vst v63  }
0x1b1: {  	v21 =	vld [tilespmem:$0x180D0];
	_ =	sdelay $0x4  }
0x1b2: {  	v22 =	vshll.u32 v21, $0x3  }
0x1b3: {  	v21 =	vand.u32 $0x7, v21;
	v22 =	vand.u32 $0xFFFFFFC0, v22  }
0x1b4: {  	v21 =	vor.u32 v21, v22  }
0x1b5: {  	v22 =	vperm.xlane v21, v13;
	_ =	sdelay $0x1  }
0x1b6: {  	v22 =	vadd.s32 v15, v22;
	_ =	sdelay $0x3  }
0x1b7: {  	s25 =	simm.s32 $0x4000  }
0x1b8: {  	[tilespmem:s25], [sflag:$0x1] =	stream.indirect_vreg.gather [hbm4b:s2+s3], $0x80, v22, vm0, $0xb8;
	[tilespmem:$0x18100] =	vst v63  }
0x1b9: {  	s23 =	simm.s32 $0x4800;
	v21 =	vperm.xlane v21, v14  }
0x1ba: {  	[tilespmem:s23], [sflag:$0x1] =	stream.indirect_vreg.gather [hbm4b:s5+s3], $0x80, v22, vm0, $0xb8;
	[tilespmem:$0x18100] =	vst v63  }
0x1bb: {  	v21 =	vadd.s32 v15, v21;
	s25 =	simm.s32 $0x5000  }
0x1bc: {  	[tilespmem:s25], [sflag:$0x1] =	stream.indirect_vreg.gather [hbm4b:s6+s3], $0x80, v22, vm0, $0xb8;
	[tilespmem:$0x18100] =	vst v63  }
0x1bd: {  	s23 =	simm.s32 $0x5800  }
0x1be: {  	[tilespmem:s23], [sflag:$0x1] =	stream.indirect_vreg.gather [hbm4b:s7+s3], $0x80, v22, vm0, $0xb8;
	[tilespmem:$0x18100] =	vst v63  }
0x1bf: {  	s25 =	simm.s32 $0x6000  }
0x1c0: {  	[tilespmem:s25], [sflag:$0x1] =	stream.indirect_vreg.gather [hbm4b:s2+s3], $0x80, v21, vm0, $0xb8;
	[tilespmem:$0x18100] =	vst v63  }
0x1c1: {  	s23 =	simm.s32 $0x6800  }
0x1c2: {  	[tilespmem:s23], [sflag:$0x1] =	stream.indirect_vreg.gather [hbm4b:s5+s3], $0x80, v21, vm0, $0xb8;
	[tilespmem:$0x18100] =	vst v63  }
0x1c3: {  	s25 =	simm.s32 $0x7000  }
0x1c4: {  	[tilespmem:s25], [sflag:$0x1] =	stream.indirect_vreg.gather [hbm4b:s6+s3], $0x80, v21, vm0, $0xb8;
	[tilespmem:$0x18100] =	vst v63  }
0x1c5: {  	s23 =	simm.s32 $0x7800  }
0x1c6: {  	[tilespmem:s23], [sflag:$0x1] =	stream.indirect_vreg.gather [hbm4b:s7+s3], $0x80, v21, vm0, $0xb8;
	[tilespmem:$0x18100] =	vst v63  }
0x1c7: {  	_ =	swait.ge [sflag:s31], $0x8000  }
0x1c8: {  	[sflag:s31] =	ssyncset.done $0x0  }
0x1c9: {  	s25 =	rddreg [dreg:$0x16];
	[sflag:s31] =	ssyncadd.s32 $0xFFFF8000  }
0x1ca: {  	[hbm4b:s25+s3] =	stream.linear.scatter [tilespmem:s16], [sflag:$0x6], $0x8000, $0x38;
	[tilespmem:$0x18100] =	vst v63  }
0x1cb: {  	s0 =	rddreg [dreg:$0x17]  }
0x1cc: {  	[hbm4b:s0+s3] =	stream.linear.scatter [tilespmem:s16], [sflag:$0x6], $0x8000, $0x38;
	[tilespmem:$0x18100] =	vst v63  }
0x1cd: {  	s31 =	rddreg [dreg:$0x18]  }
0x1ce: {  	[hbm4b:s31+s3] =	stream.linear.scatter [tilespmem:s16], [sflag:$0x6], $0x8000, $0x38;
	[tilespmem:$0x18100] =	vst v63  }
0x1cf: {  	s0 =	rddreg [dreg:$0x19]  }
0x1d0: {  	[hbm4b:s0+s3] =	stream.linear.scatter [tilespmem:s16], [sflag:$0x6], $0x8000, $0x38;
	[tilespmem:$0x18100] =	vst v63  }
0x1d1: {  	_ =	swait.ge [sflag:s21], $0x8000  }
0x1d2: {  	[sflag:s21] =	ssyncset.done $0x0  }
0x1d3: {  	[sflag:s21] =	ssyncadd.s32 $0xFFFF8000  }
0x1d4: {  	_ =	swait.ge [sflag:s21], $0x8000  }
0x1d5: {  	[sflag:s21] =	ssyncset.done $0x0  }
0x1d6: {  	[sflag:s21] =	ssyncadd.s32 $0xFFFF8000  }
0x1d7: {  	_ =	swait.ge [sflag:s21], $0x8000  }
0x1d8: {  	[sflag:s21] =	ssyncset.done $0x0  }
0x1d9: {  	[sflag:s21] =	ssyncadd.s32 $0xFFFF8000  }
0x1da: {  	_ =	swait.ge [sflag:s21], $0x8000  }
0x1db: {  	[sflag:s21] =	ssyncset.done $0x0  }
0x1dc: {  	[sflag:s21] =	ssyncadd.s32 $0xFFFF8000  }
0x1dd: {  	v21 =	vld [tilespmem:$0x180E0];
	_ =	sdelay $0x4  }
0x1de: {  	v22 =	vshll.u32 v21, $0x3  }
0x1df: {  	v21 =	vand.u32 $0x7, v21;
	v22 =	vand.u32 $0xFFFFFFC0, v22  }
0x1e0: {  	v21 =	vor.u32 v21, v22  }
0x1e1: {  	v22 =	vperm.xlane v21, v13;
	_ =	sdelay $0x1  }
0x1e2: {  	v22 =	vadd.s32 v15, v22;
	_ =	sdelay $0x4  }
0x1e3: {  	[tilespmem:s24], [sflag:$0x2] =	stream.indirect_vreg.gather [hbm4b:s2+s3], $0x80, v22, vm0, $0xb8;
	[tilespmem:$0x18100] =	vst v63  }
0x1e4: {  	s31 =	simm.s32 $0x8800;
	v21 =	vperm.xlane v21, v14  }
0x1e5: {  	[tilespmem:s31], [sflag:$0x2] =	stream.indirect_vreg.gather [hbm4b:s5+s3], $0x80, v22, vm0, $0xb8;
	[tilespmem:$0x18100] =	vst v63  }
0x1e6: {  	s23 =	simm.s32 $0x9000;
	v21 =	vadd.s32 v15, v21  }
0x1e7: {  	[tilespmem:s23], [sflag:$0x2] =	stream.indirect_vreg.gather [hbm4b:s6+s3], $0x80, v22, vm0, $0xb8;
	[tilespmem:$0x18100] =	vst v63  }
0x1e8: {  	s25 =	simm.s32 $0x9800  }
0x1e9: {  	[tilespmem:s25], [sflag:$0x2] =	stream.indirect_vreg.gather [hbm4b:s7+s3], $0x80, v22, vm0, $0xb8;
	[tilespmem:$0x18100] =	vst v63  }
0x1ea: {  	s31 =	simm.s32 $0xA000  }
0x1eb: {  	[tilespmem:s31], [sflag:$0x2] =	stream.indirect_vreg.gather [hbm4b:s2+s3], $0x80, v21, vm0, $0xb8;
	[tilespmem:$0x18100] =	vst v63  }
0x1ec: {  	s23 =	simm.s32 $0xA800  }
0x1ed: {  	[tilespmem:s23], [sflag:$0x2] =	stream.indirect_vreg.gather [hbm4b:s5+s3], $0x80, v21, vm0, $0xb8;
	[tilespmem:$0x18100] =	vst v63  }
0x1ee: {  	s25 =	simm.s32 $0xB000  }
0x1ef: {  	[tilespmem:s25], [sflag:$0x2] =	stream.indirect_vreg.gather [hbm4b:s6+s3], $0x80, v21, vm0, $0xb8;
	[tilespmem:$0x18100] =	vst v63  }
0x1f0: {  	s31 =	simm.s32 $0xB800  }
0x1f1: {  	[tilespmem:s31], [sflag:$0x2] =	stream.indirect_vreg.gather [hbm4b:s7+s3], $0x80, v21, vm0, $0xb8;
	[tilespmem:$0x18100] =	vst v63  }
0x1f2: {  	v21 =	vld [tilespmem:$0x180F0];
	_ =	sdelay $0x4  }
0x1f3: {  	v22 =	vshll.u32 v21, $0x3  }
0x1f4: {  	v21 =	vand.u32 $0x7, v21;
	v22 =	vand.u32 $0xFFFFFFC0, v22  }
0x1f5: {  	v21 =	vor.u32 v21, v22  }
0x1f6: {  	v22 =	vperm.xlane v21, v13;
	_ =	sdelay $0x1  }
0x1f7: {  	v22 =	vadd.s32 v15, v22;
	_ =	sdelay $0x3  }
0x1f8: {  	s23 =	simm.s32 $0xC000  }
0x1f9: {  	[tilespmem:s23], [sflag:$0x2] =	stream.indirect_vreg.gather [hbm4b:s2+s3], $0x80, v22, vm0, $0xb8;
	[tilespmem:$0x18100] =	vst v63  }
0x1fa: {  	s25 =	simm.s32 $0xC800;
	v21 =	vperm.xlane v21, v14  }
0x1fb: {  	[tilespmem:s25], [sflag:$0x2] =	stream.indirect_vreg.gather [hbm4b:s5+s3], $0x80, v22, vm0, $0xb8;
	[tilespmem:$0x18100] =	vst v63  }
0x1fc: {  	s31 =	simm.s32 $0xD000;
	v21 =	vadd.s32 v15, v21  }
0x1fd: {  	[tilespmem:s31], [sflag:$0x2] =	stream.indirect_vreg.gather [hbm4b:s6+s3], $0x80, v22, vm0, $0xb8;
	[tilespmem:$0x18100] =	vst v63  }
0x1fe: {  	s23 =	simm.s32 $0xD800  }
0x1ff: {  	[tilespmem:s23], [sflag:$0x2] =	stream.indirect_vreg.gather [hbm4b:s7+s3], $0x80, v22, vm0, $0xb8;
	[tilespmem:$0x18100] =	vst v63  }
0x200: {  	s25 =	simm.s32 $0xE000  }
0x201: {  	[tilespmem:s25], [sflag:$0x2] =	stream.indirect_vreg.gather [hbm4b:s2+s3], $0x80, v21, vm0, $0xb8;
	[tilespmem:$0x18100] =	vst v63  }
0x202: {  	s31 =	simm.s32 $0xE800  }
0x203: {  	[tilespmem:s31], [sflag:$0x2] =	stream.indirect_vreg.gather [hbm4b:s5+s3], $0x80, v21, vm0, $0xb8;
	[tilespmem:$0x18100] =	vst v63  }
0x204: {  	s23 =	simm.s32 $0xF000  }
0x205: {  	[tilespmem:s23], [sflag:$0x2] =	stream.indirect_vreg.gather [hbm4b:s6+s3], $0x80, v21, vm0, $0xb8;
	[tilespmem:$0x18100] =	vst v63  }
0x206: {  	s25 =	simm.s32 $0xF800  }
0x207: {  	[tilespmem:s25], [sflag:$0x2] =	stream.indirect_vreg.gather [hbm4b:s7+s3], $0x80, v21, vm0, $0xb8;
	[tilespmem:$0x18100] =	vst v63  }
0x208: {  	_ =	swait.ge [sflag:s17], $0x8000  }
0x209: {  	[sflag:s17] =	ssyncset.done $0x0  }
0x20a: {  	s31 =	rddreg [dreg:$0x1a];
	[sflag:s17] =	ssyncadd.s32 $0xFFFF8000  }
0x20b: {  	[hbm4b:s31+s3] =	stream.linear.scatter [tilespmem:s3], [sflag:$0x4], $0x8000, $0x38;
	[tilespmem:$0x18100] =	vst v63  }
0x20c: {  	s0 =	rddreg [dreg:$0x1b]  }
0x20d: {  	[hbm4b:s0+s3] =	stream.linear.scatter [tilespmem:s3], [sflag:$0x4], $0x8000, $0x38;
	[tilespmem:$0x18100] =	vst v63  }
0x20e: {  	s31 =	rddreg [dreg:$0x1c]  }
0x20f: {  	[hbm4b:s31+s3] =	stream.linear.scatter [tilespmem:s3], [sflag:$0x4], $0x8000, $0x38;
	[tilespmem:$0x18100] =	vst v63  }
0x210: {  	s0 =	rddreg [dreg:$0x1d]  }
0x211: {  	[hbm4b:s0+s3] =	stream.linear.scatter [tilespmem:s3], [sflag:$0x4], $0x8000, $0x38;
	[tilespmem:$0x18100] =	vst v63  }
0x212: {  	_ =	swait.ge [sflag:s18], $0x8000  }
0x213: {  	s25 =	rddreg [dreg:$0x1e];
	[sflag:s18] =	ssyncset.done $0x0  }
0x214: {  	s31 =	rddreg [dreg:$0x1f];
	[sflag:s18] =	ssyncadd.s32 $0xFFFF8000  }
0x215: {  	[hbm4b:s25+s3] =	stream.linear.scatter [tilespmem:s24], [sflag:$0x5], $0x8000, $0x38;
	[tilespmem:$0x18100] =	vst v63  }
0x216: {  	s0 =	sld [smem:$0x7FB]  }
0x217: {  	[hbm4b:s31+s3] =	stream.linear.scatter [tilespmem:s24], [sflag:$0x5], $0x8000, $0x38;
	[tilespmem:$0x18100] =	vst v63  }
0x218: {  	s31 =	sld [smem:$0x7FD]  }
0x219: {  	[hbm4b:s0+s3] =	stream.linear.scatter [tilespmem:s24], [sflag:$0x5], $0x8000, $0x38;
	[tilespmem:$0x18100] =	vst v63  }
0x21a: {  	_ = 	snop  }
0x21b: {  	[hbm4b:s31+s3] =	stream.linear.scatter [tilespmem:s24], [sflag:$0x5], $0x8000, $0x38;
	[tilespmem:$0x18100] =	vst v63  }
0x21c: {  	_ =	swait.ge [sflag:s19], $0x8000  }
0x21d: {  	[sflag:s19] =	ssyncset.done $0x0  }
0x21e: {  	[sflag:s19] =	ssyncadd.s32 $0xFFFF8000  }
0x21f: {  	_ =	swait.ge [sflag:s19], $0x8000  }
0x220: {  	[sflag:s19] =	ssyncset.done $0x0  }
0x221: {  	[sflag:s19] =	ssyncadd.s32 $0xFFFF8000  }
0x222: {  	_ =	swait.ge [sflag:s19], $0x8000  }
0x223: {  	[sflag:s19] =	ssyncset.done $0x0  }
0x224: {  	[sflag:s19] =	ssyncadd.s32 $0xFFFF8000  }
0x225: {  	_ =	swait.ge [sflag:s19], $0x8000  }
0x226: {  	[sflag:s19] =	ssyncset.done $0x0  }
0x227: {  	[sflag:s19] =	ssyncadd.s32 $0xFFFF8000  }
0x228: {  	_ =	swait.ge [sflag:s21], $0x8000  }
0x229: {  	[sflag:s21] =	ssyncset.done $0x0  }
0x22a: {  	[sflag:s21] =	ssyncadd.s32 $0xFFFF8000  }
0x22b: {  	_ =	swait.ge [sflag:s21], $0x8000  }
0x22c: {  	[sflag:s21] =	ssyncset.done $0x0  }
0x22d: {  	[sflag:s21] =	ssyncadd.s32 $0xFFFF8000  }
0x22e: {  	_ =	swait.ge [sflag:s21], $0x8000  }
0x22f: {  	[sflag:s21] =	ssyncset.done $0x0  }
0x230: {  	[sflag:s21] =	ssyncadd.s32 $0xFFFF8000  }
0x231: {  	_ =	swait.ge [sflag:s21], $0x8000  }
0x232: {  	[sflag:s21] =	ssyncset.done $0x0  }
0x233: {  	[sflag:s21] =	ssyncadd.s32 $0xFFFF8000  }
0x234: {  	_ =	swait.ge [sflag:s22], $0x8000  }
0x235: {  	[sflag:s22] =	ssyncset.done $0x0  }
0x236: {  	[sflag:s22] =	ssyncadd.s32 $0xFFFF8000  }
0x237: {  	_ =	swait.ge [sflag:s22], $0x8000  }
0x238: {  	[sflag:s22] =	ssyncset.done $0x0  }
0x239: {  	[sflag:s22] =	ssyncadd.s32 $0xFFFF8000  }
0x23a: {  	p0 =	sne.s32 s8, $0x1;
	_ =	swait.ge [sflag:s22], $0x8000  }
.Ltmp0:
0x23b: {  	[sflag:s22] =	ssyncset.done $0x0;
	(pc) =	sbr.rel @p0 .LBB2_1-.Ltmp0, $4  }
0x23c: {  	[sflag:s22] =	ssyncadd.s32 $0xFFFF8000  }
0x23d: {  	_ =	swait.ge [sflag:s22], $0x8000  }
0x23e: {  	[sflag:s22] =	ssyncset.done $0x0  }
0x23f: {  	s8 =	sadd.s32 $0xFFFFFFFF, s8;
	[sflag:s22] =	ssyncadd.s32 $0xFFFF8000  }
0x240: {  	_ =	sfence.sel $0x180000  }
0x241: {  	[bflag:$0x0] =	sbarrier.arrive $0xFFFF  }
0x242: {  	_ =	strace $0x90000047  }
0x243: {  	s0 =	stileid.u32;
	[bflag:$0x2] =	sbarrier.arrive $0xFFFF  }
0x244: {  	p0 =	sne.s32 s0, $0x0;
	s0 =	rddreg [dreg:$0x2]  }
0x245: {  	s0 =	sadd.s32 @!p0 $0x100000, s0  }
0x246: {  	[sflag:s0] =	ssyncadd.tile.s32 @!p0 $0x1;
	_ =	shalt  }
.Lfunc_end2:
_tile_overlayer_lowered:
.L_overlay_start_2:
0x247: {  	(tag) =	ssettag $0x2  }
0x248: {  	s0 =	rddreg [dreg:$0x0];
	s2 =	stileid.u32  }
0x249: {  	s1 =	rddreg [dreg:$0x1];
	p0 =	sne.s32 s2, $0x0  }
0x24a: {  	s3 =	rddreg [dreg:$0x2];
	[bflag:$0x3] =	sbarrier.arrive $0xFFFF;
	s2 =	simm.s32 @!p0 $0x1C07  }
0x24b: {  	[timem:s3], [sflag:s2] =	dma.local @!p0 [hbm:s0], s1  }
0x24c: {  	s0 =	simm.s32 @!p0 $0x7  }
0x24d: {  	_ =	swait.ge @!p0 [sflag:s0], s1  }
0x24e: {  	s1 =	ssub.s32 @!p0 $0x0, s1;
	[sflag:s0] =	ssyncset.done @!p0 $0x0  }
0x24f: {  	[sflag:s0] =	ssyncadd.s32 @!p0 s1  }
0x250: {  	[bflag:$0x3] =	sbarrier.arrive $0xFFFF  }
0x251: {  	_ =	shalt  }

</sc_bundles>
